<compile_context>
chip_gen: v7x
topology: tpu7x:2x2x1
jax: 0.10.2.dev20260603
libtpu: 0.0.44.dev20260713+nightly
codegen_flags: <defaults>
</compile_context>

<pallas_src>
import functools

import jax
import jax.numpy as jnp
from jax import lax
from jax.experimental import pallas as pl
from jax.experimental.pallas import tpu as pltpu
from jax.experimental.pallas import tpu_sc as plsc

B = 16384
H = 128
CHUNK = 2048
NCHUNK = B // CHUNK
EPS = 1e-5
LANES = 16


def _gather_call(ci, si, gi, ec_pad, es, eg):
  info = plsc.get_sparse_core_info()
  nc, ns = info.num_cores, info.num_subcores
  nw = nc * ns
  bpw = B // nw
  ngrp = bpw // LANES
  mesh = plsc.VectorSubcoreMesh(core_axis_name="c", subcore_axis_name="s")

  @functools.partial(
      pl.kernel,
      mesh=mesh,
      out_type=jax.ShapeDtypeStruct((32, B), jnp.int32),
      scratch_types=[
          pltpu.VMEM((bpw,), jnp.int32),
          pltpu.VMEM((bpw,), jnp.int32),
          pltpu.VMEM((bpw,), jnp.int32),
          pltpu.VMEM((8, 8), jnp.int32),
          pltpu.VMEM((128, 8), jnp.int32),
          pltpu.VMEM((1000, 16), jnp.int32),
          pltpu.VMEM((32, bpw), jnp.int32),
          pltpu.SemaphoreType.DMA,
      ],
      compiler_params=pltpu.CompilerParams(use_tc_tiling_on_sc=False,
                                           needs_layout_passes=False),
  )
  def gk(ci_hbm, si_hbm, gi_hbm, ec_hbm, es_hbm, eg_hbm, x_hbm,
         ci_v, si_v, gi_v, tc_v, ts_v, tg_v, o_v, sem):
    wid = lax.axis_index("s") * nc + lax.axis_index("c")
    base = wid * bpw
    rows = pl.ds(base, bpw)
    cps = [
        pltpu.async_copy(ci_hbm.at[rows], ci_v, sem),
        pltpu.async_copy(si_hbm.at[rows], si_v, sem),
        pltpu.async_copy(gi_hbm.at[rows], gi_v, sem),
        pltpu.async_copy(ec_hbm, tc_v, sem),
        pltpu.async_copy(es_hbm, ts_v, sem),
        pltpu.async_copy(eg_hbm, tg_v, sem),
    ]
    for cp in cps:
      cp.wait()

    @plsc.parallel_loop(0, ngrp)
    def body(g):
      grp = pl.ds(g * LANES, LANES)
      ic = ci_v[grp]
      isv = si_v[grp]
      ig = gi_v[grp]
      vc = [plsc.load_gather(tc_v, [ic, jnp.full((LANES,), col, jnp.int32)])
            for col in range(8)]
      vs = [plsc.load_gather(ts_v, [isv, jnp.full((LANES,), col, jnp.int32)])
            for col in range(8)]
      vg = [plsc.load_gather(tg_v, [ig, jnp.full((LANES,), col, jnp.int32)])
            for col in range(16)]
      allv = vc + vs + vg
      for c in range(32):
        o_v[c, grp] = allv[c]

    cols = pl.ds(base, bpw)
    pltpu.sync_copy(o_v, x_hbm.at[:, cols])

  return gk(ci, si, gi, ec_pad, es, eg)


def _dott(xt, w):
  return lax.dot_general(xt, w, (((0,), (0,)), ((), ())),
                         preferred_element_type=jnp.float32)


def _mlp_body(x_ref, w1e_ref, w1o_ref, b1_ref, g1_ref, be1_ref, w2_ref, b2_ref,
              g2_ref, be2_ref, w3_ref, b3_ref, out_ref):
  csum = lambda a: jnp.sum(a, axis=0, keepdims=True)
  xp = x_ref[...]
  xe = lax.bitcast_convert_type(xp << 16, jnp.float32).astype(jnp.bfloat16)
  xo = lax.bitcast_convert_type(xp & jnp.int32(-65536),
                                jnp.float32).astype(jnp.bfloat16)
  h1 = _dott(xe, w1e_ref[...]) + _dott(xo, w1o_ref[...]) + b1_ref[...]
  m = csum(h1) * (1.0 / B)
  v = csum(h1 * h1) * (1.0 / B) - m * m
  scale = lax.rsqrt(v + EPS) * g1_ref[...]
  shift = be1_ref[...] - m * scale
  h = jnp.maximum(h1 * scale + shift, 0.0)
  h2 = jnp.dot(h, w2_ref[...], preferred_element_type=jnp.float32) + b2_ref[...]
  m = csum(h2) * (1.0 / B)
  v = csum(h2 * h2) * (1.0 / B) - m * m
  scale = lax.rsqrt(v + EPS) * g2_ref[...]
  shift = be2_ref[...] - m * scale
  h = jnp.maximum(h2 * scale + shift, 0.0)
  out_ref[...] = (jnp.dot(h, w3_ref[...], preferred_element_type=jnp.float32)
                  + b3_ref[...])


def _mlp_call(x, w1e, w1o, b1, g1, be1, w2, b2, g2, be2, w3, b3):
  return pl.pallas_call(
      _mlp_body,
      out_shape=jax.ShapeDtypeStruct((B, 1), jnp.float32),
  )(x, w1e, w1o, b1, g1, be1, w2, b2, g2, be2, w3, b3)


def kernel(cell_type_indices, sm_indices, gene_indices, E_cell, E_sm, E_gene,
           W1, b1, g1, beta1, W2, b2, g2, beta2, W3, b3):
  ci = cell_type_indices.astype(jnp.int32)
  si = sm_indices.astype(jnp.int32)
  gi = gene_indices.astype(jnp.int32)

  def pack(t):
    b = t.astype(jnp.bfloat16)
    return jax.lax.bitcast_convert_type(
        b.reshape(t.shape[0], -1, 2), jnp.int32)

  ec_pad = jnp.pad(E_cell, ((0, 0), (0, 12)))
  x = _gather_call(ci, si, gi, pack(ec_pad), pack(E_sm), pack(E_gene))
  w1full = jnp.concatenate(
      [jnp.pad(W1[0:4, :], ((0, 12), (0, 0))), W1[4:52, :]], axis=0)
  r = lambda a: a.reshape(1, H)
  return _mlp_call(x, w1full[0::2].astype(jnp.bfloat16),
                   w1full[1::2].astype(jnp.bfloat16),
                   r(b1), r(g1), r(beta1), W2, r(b2), r(g2), r(beta2),
                   W3, b3.reshape(1, 1))

# --- scband reference (transcript-rebuilt; emitter-appended) ---
"""Pipeline reference for scband-deep-tensor-factorization-85040352461400 (READ-ONLY COPY).

The authoritative reference and input builder live on the scoring server;
editing this copy changes nothing except your own understanding.
"""

import jax, jax.numpy as jnp
import numpy as np

B = 16384
N_CELL, N_SM, N_GENE = 8, 128, 1000
D_CELL, D_SM, D_GENE = 4, 16, 32
D_IN = D_CELL + D_SM + D_GENE
H = 128

def setup_inputs(seed: int = 0):
    key = jax.random.key(seed)
    ks = jax.random.split(key, 12)
    inp = {}
    inp['cell_type_indices'] = jax.random.randint(ks[0], (B,), 0, N_CELL)
    inp['sm_indices'] = jax.random.randint(ks[1], (B,), 0, N_SM)
    inp['gene_indices'] = jax.random.randint(ks[2], (B,), 0, N_GENE)
    inp['E_cell'] = jax.random.normal(ks[3], (N_CELL, D_CELL), dtype=jnp.float32)
    inp['E_sm'] = jax.random.normal(ks[4], (N_SM, D_SM), dtype=jnp.float32)
    inp['E_gene'] = jax.random.normal(ks[5], (N_GENE, D_GENE), dtype=jnp.float32)
    inp['W1'] = jax.random.normal(ks[6], (D_IN, H), dtype=jnp.float32) * 0.05
    inp['b1'] = jnp.zeros((H,), dtype=jnp.float32)
    inp['g1'] = jnp.ones((H,), dtype=jnp.float32)
    inp['beta1'] = jnp.zeros((H,), dtype=jnp.float32)
    inp['W2'] = jax.random.normal(ks[7], (H, H), dtype=jnp.float32) * 0.05
    inp['b2'] = jnp.zeros((H,), dtype=jnp.float32)
    inp['g2'] = jnp.ones((H,), dtype=jnp.float32)
    inp['beta2'] = jnp.zeros((H,), dtype=jnp.float32)
    inp['W3'] = jax.random.normal(ks[8], (H, 1), dtype=jnp.float32) * 0.05
    inp['b3'] = jnp.zeros((1,), dtype=jnp.float32)
    return inp

def _bn(x, g, b):
    m = jnp.mean(x, axis=0)
    v = jnp.var(x, axis=0)
    return (x - m) / jnp.sqrt(v + 1e-5) * g + b

def reference(cell_type_indices, sm_indices, gene_indices, E_cell, E_sm, E_gene, W1, b1, g1, beta1, W2, b2, g2, beta2, W3, b3):
    cv = jnp.take(E_cell, cell_type_indices, axis=0)
    sv = jnp.take(E_sm, sm_indices, axis=0)
    gv = jnp.take(E_gene, gene_indices, axis=0)
    x = jnp.concatenate([cv, sv, gv], axis=1)
    h = _bn(x @ W1 + b1, g1, beta1)
    h = jax.nn.relu(h)
    h = _bn(h @ W2 + b2, g2, beta2)
    h = jax.nn.relu(h)
    out = h @ W3 + b3
    return out

if __name__ == "__main__":
    import jax
    _d = setup_inputs()
    print(jax.jit(kernel)(*tuple(_d.values())))

</pallas_src>

<mosaic_0001>
#map = affine_map<(d0, d1) -> (0)>
#map1 = affine_map<(d0, d1) -> (0, 0)>
module attributes {stable_mosaic.version = 14 : i64} {
  func.func @gk(%arg0: i32, %arg1: i32, %arg2: memref<16384xi32, #tpu.memory_space<hbm>>, %arg3: memref<16384xi32, #tpu.memory_space<hbm>>, %arg4: memref<16384xi32, #tpu.memory_space<hbm>>, %arg5: memref<8x8xi32, #tpu.memory_space<hbm>>, %arg6: memref<128x8xi32, #tpu.memory_space<hbm>>, %arg7: memref<1000x16xi32, #tpu.memory_space<hbm>>, %arg8: memref<32x16384xi32, #tpu.memory_space<hbm>>, %arg9: memref<512xi32, #tpu.memory_space<vmem>>, %arg10: memref<512xi32, #tpu.memory_space<vmem>>, %arg11: memref<512xi32, #tpu.memory_space<vmem>>, %arg12: memref<8x8xi32, #tpu.memory_space<vmem>>, %arg13: memref<128x8xi32, #tpu.memory_space<vmem>>, %arg14: memref<1000x16xi32, #tpu.memory_space<vmem>>, %arg15: memref<32x512xi32, #tpu.memory_space<vmem>>, %arg16: memref<!tpu.dma_semaphore, #tpu.memory_space<semaphore_mem>>) attributes {dimension_semantics = [#tpu.dimension_semantics<core_parallel>, #tpu.dimension_semantics<subcore_parallel>], iteration_bounds = array<i64: 2, 16>, scalar_prefetch = 0 : i64, scratch_operands = 8 : i64, tpu.core_type = #tpu.core_type<sc_vector_subcore>, window_params = [{transform_indices = #map}, {transform_indices = #map}, {transform_indices = #map}, {transform_indices = #map1}, {transform_indices = #map1}, {transform_indices = #map1}, {transform_indices = #map1}]} {
    %mul3A = arith.constant 2 : i32
    %mul3A_0 = arith.muli %arg1, %mul3A : i32
    %add3A = arith.addi %mul3A_0, %arg0 : i32
    %mul3A_1 = arith.constant 512 : i32
    %mul3A_2 = arith.muli %add3A, %mul3A_1 : i32
    %dma_start3A = tpu.memref_slice %arg2[%mul3A_2] : memref<16384xi32, #tpu.memory_space<hbm>> -> memref<512xi32, #tpu.memory_space<hbm>>
    %dma_start3A_3 = tpu.memref_slice %arg2[%mul3A_2] : memref<16384xi32, #tpu.memory_space<hbm>> -> memref<512xi32, #tpu.memory_space<hbm>>
    tpu.enqueue_dma source(%dma_start3A_3 : memref<512xi32, #tpu.memory_space<hbm>>) target(%arg9 : memref<512xi32, #tpu.memory_space<vmem>>) target_semaphore(%arg16 : memref<!tpu.dma_semaphore, #tpu.memory_space<semaphore_mem>>)
    %dma_start3A_4 = tpu.memref_slice %arg3[%mul3A_2] : memref<16384xi32, #tpu.memory_space<hbm>> -> memref<512xi32, #tpu.memory_space<hbm>>
    %dma_start3A_5 = tpu.memref_slice %arg3[%mul3A_2] : memref<16384xi32, #tpu.memory_space<hbm>> -> memref<512xi32, #tpu.memory_space<hbm>>
    tpu.enqueue_dma source(%dma_start3A_5 : memref<512xi32, #tpu.memory_space<hbm>>) target(%arg10 : memref<512xi32, #tpu.memory_space<vmem>>) target_semaphore(%arg16 : memref<!tpu.dma_semaphore, #tpu.memory_space<semaphore_mem>>)
    %dma_start3A_6 = tpu.memref_slice %arg4[%mul3A_2] : memref<16384xi32, #tpu.memory_space<hbm>> -> memref<512xi32, #tpu.memory_space<hbm>>
    %dma_start3A_7 = tpu.memref_slice %arg4[%mul3A_2] : memref<16384xi32, #tpu.memory_space<hbm>> -> memref<512xi32, #tpu.memory_space<hbm>>
    tpu.enqueue_dma source(%dma_start3A_7 : memref<512xi32, #tpu.memory_space<hbm>>) target(%arg11 : memref<512xi32, #tpu.memory_space<vmem>>) target_semaphore(%arg16 : memref<!tpu.dma_semaphore, #tpu.memory_space<semaphore_mem>>)
    tpu.enqueue_dma source(%arg5 : memref<8x8xi32, #tpu.memory_space<hbm>>) target(%arg12 : memref<8x8xi32, #tpu.memory_space<vmem>>) target_semaphore(%arg16 : memref<!tpu.dma_semaphore, #tpu.memory_space<semaphore_mem>>)
    tpu.enqueue_dma source(%arg6 : memref<128x8xi32, #tpu.memory_space<hbm>>) target(%arg13 : memref<128x8xi32, #tpu.memory_space<vmem>>) target_semaphore(%arg16 : memref<!tpu.dma_semaphore, #tpu.memory_space<semaphore_mem>>)
    tpu.enqueue_dma source(%arg7 : memref<1000x16xi32, #tpu.memory_space<hbm>>) target(%arg14 : memref<1000x16xi32, #tpu.memory_space<vmem>>) target_semaphore(%arg16 : memref<!tpu.dma_semaphore, #tpu.memory_space<semaphore_mem>>)
    %dma_wait3A = tpu.memref_slice %arg2[%mul3A_2] : memref<16384xi32, #tpu.memory_space<hbm>> -> memref<512xi32, #tpu.memory_space<hbm>>
    %dma_wait3A_8 = tpu.memref_slice %arg2[%mul3A_2] : memref<16384xi32, #tpu.memory_space<hbm>> -> memref<512xi32, #tpu.memory_space<hbm>>
    tpu.wait_dma2 semaphore(%arg16 : memref<!tpu.dma_semaphore, #tpu.memory_space<semaphore_mem>>) src(%dma_wait3A_8 : memref<512xi32, #tpu.memory_space<hbm>>) dst(%arg9 : memref<512xi32, #tpu.memory_space<vmem>>)
    %dma_wait3A_9 = tpu.memref_slice %arg3[%mul3A_2] : memref<16384xi32, #tpu.memory_space<hbm>> -> memref<512xi32, #tpu.memory_space<hbm>>
    %dma_wait3A_10 = tpu.memref_slice %arg3[%mul3A_2] : memref<16384xi32, #tpu.memory_space<hbm>> -> memref<512xi32, #tpu.memory_space<hbm>>
    tpu.wait_dma2 semaphore(%arg16 : memref<!tpu.dma_semaphore, #tpu.memory_space<semaphore_mem>>) src(%dma_wait3A_10 : memref<512xi32, #tpu.memory_space<hbm>>) dst(%arg10 : memref<512xi32, #tpu.memory_space<vmem>>)
    %dma_wait3A_11 = tpu.memref_slice %arg4[%mul3A_2] : memref<16384xi32, #tpu.memory_space<hbm>> -> memref<512xi32, #tpu.memory_space<hbm>>
    %dma_wait3A_12 = tpu.memref_slice %arg4[%mul3A_2] : memref<16384xi32, #tpu.memory_space<hbm>> -> memref<512xi32, #tpu.memory_space<hbm>>
    tpu.wait_dma2 semaphore(%arg16 : memref<!tpu.dma_semaphore, #tpu.memory_space<semaphore_mem>>) src(%dma_wait3A_12 : memref<512xi32, #tpu.memory_space<hbm>>) dst(%arg11 : memref<512xi32, #tpu.memory_space<vmem>>)
    tpu.wait_dma2 semaphore(%arg16 : memref<!tpu.dma_semaphore, #tpu.memory_space<semaphore_mem>>) src(%arg5 : memref<8x8xi32, #tpu.memory_space<hbm>>) dst(%arg12 : memref<8x8xi32, #tpu.memory_space<vmem>>)
    tpu.wait_dma2 semaphore(%arg16 : memref<!tpu.dma_semaphore, #tpu.memory_space<semaphore_mem>>) src(%arg6 : memref<128x8xi32, #tpu.memory_space<hbm>>) dst(%arg13 : memref<128x8xi32, #tpu.memory_space<vmem>>)
    tpu.wait_dma2 semaphore(%arg16 : memref<!tpu.dma_semaphore, #tpu.memory_space<semaphore_mem>>) src(%arg7 : memref<1000x16xi32, #tpu.memory_space<hbm>>) dst(%arg14 : memref<1000x16xi32, #tpu.memory_space<vmem>>)
    %parallel_loop3A = arith.constant 0 : i32
    %parallel_loop3A_13 = arith.constant 32 : i32
    %parallel_loop3A_14 = arith.constant 1 : i32
    scf.for %parallel_loop3A_15 = %parallel_loop3A to %parallel_loop3A_13 step %parallel_loop3A_14  : i32 {
      %parallel_loop3A_16 = arith.constant 16 : i32
      %parallel_loop3A_17 = arith.muli %parallel_loop3A_15, %parallel_loop3A_16 : i32
      %parallel_loop3A_18 = arith.index_cast %parallel_loop3A_17 : i32 to index
      %parallel_loop3A_19 = tpu.vector_load %arg9[%parallel_loop3A_18] {strides = array<i32>} : memref<512xi32, #tpu.memory_space<vmem>>, vector<16xi32>,
      %parallel_loop3A_20 = arith.index_cast %parallel_loop3A_17 : i32 to index
      %parallel_loop3A_21 = tpu.vector_load %arg10[%parallel_loop3A_20] {strides = array<i32>} : memref<512xi32, #tpu.memory_space<vmem>>, vector<16xi32>,
      %parallel_loop3A_22 = arith.index_cast %parallel_loop3A_17 : i32 to index
      %parallel_loop3A_23 = tpu.vector_load %arg11[%parallel_loop3A_22] {strides = array<i32>} : memref<512xi32, #tpu.memory_space<vmem>>, vector<16xi32>,
      %parallel_loop3A_24 = arith.constant 0 : i32
      %parallel_loop3A_25 = vector.broadcast %parallel_loop3A_24 : i32 to vector<16xi32>
      %parallel_loop3A_26 = tpu.vector_load_idx %arg12[%parallel_loop3A_19, %parallel_loop3A_25] : memref<8x8xi32, #tpu.memory_space<vmem>>[vector<16xi32>, vector<16xi32>], vector<16xi32>,
      %parallel_loop3A_27 = arith.constant 1 : i32
      %parallel_loop3A_28 = vector.broadcast %parallel_loop3A_27 : i32 to vector<16xi32>
      %parallel_loop3A_29 = tpu.vector_load_idx %arg12[%parallel_loop3A_19, %parallel_loop3A_28] : memref<8x8xi32, #tpu.memory_space<vmem>>[vector<16xi32>, vector<16xi32>], vector<16xi32>,
      %parallel_loop3A_30 = arith.constant 2 : i32
      %parallel_loop3A_31 = vector.broadcast %parallel_loop3A_30 : i32 to vector<16xi32>
      %parallel_loop3A_32 = tpu.vector_load_idx %arg12[%parallel_loop3A_19, %parallel_loop3A_31] : memref<8x8xi32, #tpu.memory_space<vmem>>[vector<16xi32>, vector<16xi32>], vector<16xi32>,
      %parallel_loop3A_33 = arith.constant 3 : i32
      %parallel_loop3A_34 = vector.broadcast %parallel_loop3A_33 : i32 to vector<16xi32>
      %parallel_loop3A_35 = tpu.vector_load_idx %arg12[%parallel_loop3A_19, %parallel_loop3A_34] : memref<8x8xi32, #tpu.memory_space<vmem>>[vector<16xi32>, vector<16xi32>], vector<16xi32>,
      %parallel_loop3A_36 = arith.constant 4 : i32
      %parallel_loop3A_37 = vector.broadcast %parallel_loop3A_36 : i32 to vector<16xi32>
      %parallel_loop3A_38 = tpu.vector_load_idx %arg12[%parallel_loop3A_19, %parallel_loop3A_37] : memref<8x8xi32, #tpu.memory_space<vmem>>[vector<16xi32>, vector<16xi32>], vector<16xi32>,
      %parallel_loop3A_39 = arith.constant 5 : i32
      %parallel_loop3A_40 = vector.broadcast %parallel_loop3A_39 : i32 to vector<16xi32>
      %parallel_loop3A_41 = tpu.vector_load_idx %arg12[%parallel_loop3A_19, %parallel_loop3A_40] : memref<8x8xi32, #tpu.memory_space<vmem>>[vector<16xi32>, vector<16xi32>], vector<16xi32>,
      %parallel_loop3A_42 = arith.constant 6 : i32
      %parallel_loop3A_43 = vector.broadcast %parallel_loop3A_42 : i32 to vector<16xi32>
      %parallel_loop3A_44 = tpu.vector_load_idx %arg12[%parallel_loop3A_19, %parallel_loop3A_43] : memref<8x8xi32, #tpu.memory_space<vmem>>[vector<16xi32>, vector<16xi32>], vector<16xi32>,
      %parallel_loop3A_45 = arith.constant 7 : i32
      %parallel_loop3A_46 = vector.broadcast %parallel_loop3A_45 : i32 to vector<16xi32>
      %parallel_loop3A_47 = tpu.vector_load_idx %arg12[%parallel_loop3A_19, %parallel_loop3A_46] : memref<8x8xi32, #tpu.memory_space<vmem>>[vector<16xi32>, vector<16xi32>], vector<16xi32>,
      %parallel_loop3A_48 = arith.constant 0 : i32
      %parallel_loop3A_49 = vector.broadcast %parallel_loop3A_48 : i32 to vector<16xi32>
      %parallel_loop3A_50 = tpu.vector_load_idx %arg13[%parallel_loop3A_21, %parallel_loop3A_49] : memref<128x8xi32, #tpu.memory_space<vmem>>[vector<16xi32>, vector<16xi32>], vector<16xi32>,
      %parallel_loop3A_51 = arith.constant 1 : i32
      %parallel_loop3A_52 = vector.broadcast %parallel_loop3A_51 : i32 to vector<16xi32>
      %parallel_loop3A_53 = tpu.vector_load_idx %arg13[%parallel_loop3A_21, %parallel_loop3A_52] : memref<128x8xi32, #tpu.memory_space<vmem>>[vector<16xi32>, vector<16xi32>], vector<16xi32>,
      %parallel_loop3A_54 = arith.constant 2 : i32
      %parallel_loop3A_55 = vector.broadcast %parallel_loop3A_54 : i32 to vector<16xi32>
      %parallel_loop3A_56 = tpu.vector_load_idx %arg13[%parallel_loop3A_21, %parallel_loop3A_55] : memref<128x8xi32, #tpu.memory_space<vmem>>[vector<16xi32>, vector<16xi32>], vector<16xi32>,
      %parallel_loop3A_57 = arith.constant 3 : i32
      %parallel_loop3A_58 = vector.broadcast %parallel_loop3A_57 : i32 to vector<16xi32>
      %parallel_loop3A_59 = tpu.vector_load_idx %arg13[%parallel_loop3A_21, %parallel_loop3A_58] : memref<128x8xi32, #tpu.memory_space<vmem>>[vector<16xi32>, vector<16xi32>], vector<16xi32>,
      %parallel_loop3A_60 = arith.constant 4 : i32
      %parallel_loop3A_61 = vector.broadcast %parallel_loop3A_60 : i32 to vector<16xi32>
      %parallel_loop3A_62 = tpu.vector_load_idx %arg13[%parallel_loop3A_21, %parallel_loop3A_61] : memref<128x8xi32, #tpu.memory_space<vmem>>[vector<16xi32>, vector<16xi32>], vector<16xi32>,
      %parallel_loop3A_63 = arith.constant 5 : i32
      %parallel_loop3A_64 = vector.broadcast %parallel_loop3A_63 : i32 to vector<16xi32>
      %parallel_loop3A_65 = tpu.vector_load_idx %arg13[%parallel_loop3A_21, %parallel_loop3A_64] : memref<128x8xi32, #tpu.memory_space<vmem>>[vector<16xi32>, vector<16xi32>], vector<16xi32>,
      %parallel_loop3A_66 = arith.constant 6 : i32
      %parallel_loop3A_67 = vector.broadcast %parallel_loop3A_66 : i32 to vector<16xi32>
      %parallel_loop3A_68 = tpu.vector_load_idx %arg13[%parallel_loop3A_21, %parallel_loop3A_67] : memref<128x8xi32, #tpu.memory_space<vmem>>[vector<16xi32>, vector<16xi32>], vector<16xi32>,
      %parallel_loop3A_69 = arith.constant 7 : i32
      %parallel_loop3A_70 = vector.broadcast %parallel_loop3A_69 : i32 to vector<16xi32>
      %parallel_loop3A_71 = tpu.vector_load_idx %arg13[%parallel_loop3A_21, %parallel_loop3A_70] : memref<128x8xi32, #tpu.memory_space<vmem>>[vector<16xi32>, vector<16xi32>], vector<16xi32>,
      %parallel_loop3A_72 = arith.constant 0 : i32
      %parallel_loop3A_73 = vector.broadcast %parallel_loop3A_72 : i32 to vector<16xi32>
      %parallel_loop3A_74 = tpu.vector_load_idx %arg14[%parallel_loop3A_23, %parallel_loop3A_73] : memref<1000x16xi32, #tpu.memory_space<vmem>>[vector<16xi32>, vector<16xi32>], vector<16xi32>,
      %parallel_loop3A_75 = arith.constant 1 : i32
      %parallel_loop3A_76 = vector.broadcast %parallel_loop3A_75 : i32 to vector<16xi32>
      %parallel_loop3A_77 = tpu.vector_load_idx %arg14[%parallel_loop3A_23, %parallel_loop3A_76] : memref<1000x16xi32, #tpu.memory_space<vmem>>[vector<16xi32>, vector<16xi32>], vector<16xi32>,
      %parallel_loop3A_78 = arith.constant 2 : i32
      %parallel_loop3A_79 = vector.broadcast %parallel_loop3A_78 : i32 to vector<16xi32>
      %parallel_loop3A_80 = tpu.vector_load_idx %arg14[%parallel_loop3A_23, %parallel_loop3A_79] : memref<1000x16xi32, #tpu.memory_space<vmem>>[vector<16xi32>, vector<16xi32>], vector<16xi32>,
      %parallel_loop3A_81 = arith.constant 3 : i32
      %parallel_loop3A_82 = vector.broadcast %parallel_loop3A_81 : i32 to vector<16xi32>
      %parallel_loop3A_83 = tpu.vector_load_idx %arg14[%parallel_loop3A_23, %parallel_loop3A_82] : memref<1000x16xi32, #tpu.memory_space<vmem>>[vector<16xi32>, vector<16xi32>], vector<16xi32>,
      %parallel_loop3A_84 = arith.constant 4 : i32
      %parallel_loop3A_85 = vector.broadcast %parallel_loop3A_84 : i32 to vector<16xi32>
      %parallel_loop3A_86 = tpu.vector_load_idx %arg14[%parallel_loop3A_23, %parallel_loop3A_85] : memref<1000x16xi32, #tpu.memory_space<vmem>>[vector<16xi32>, vector<16xi32>], vector<16xi32>,
      %parallel_loop3A_87 = arith.constant 5 : i32
      %parallel_loop3A_88 = vector.broadcast %parallel_loop3A_87 : i32 to vector<16xi32>
      %parallel_loop3A_89 = tpu.vector_load_idx %arg14[%parallel_loop3A_23, %parallel_loop3A_88] : memref<1000x16xi32, #tpu.memory_space<vmem>>[vector<16xi32>, vector<16xi32>], vector<16xi32>,
      %parallel_loop3A_90 = arith.constant 6 : i32
      %parallel_loop3A_91 = vector.broadcast %parallel_loop3A_90 : i32 to vector<16xi32>
      %parallel_loop3A_92 = tpu.vector_load_idx %arg14[%parallel_loop3A_23, %parallel_loop3A_91] : memref<1000x16xi32, #tpu.memory_space<vmem>>[vector<16xi32>, vector<16xi32>], vector<16xi32>,
      %parallel_loop3A_93 = arith.constant 7 : i32
      %parallel_loop3A_94 = vector.broadcast %parallel_loop3A_93 : i32 to vector<16xi32>
      %parallel_loop3A_95 = tpu.vector_load_idx %arg14[%parallel_loop3A_23, %parallel_loop3A_94] : memref<1000x16xi32, #tpu.memory_space<vmem>>[vector<16xi32>, vector<16xi32>], vector<16xi32>,
      %parallel_loop3A_96 = arith.constant 8 : i32
      %parallel_loop3A_97 = vector.broadcast %parallel_loop3A_96 : i32 to vector<16xi32>
      %parallel_loop3A_98 = tpu.vector_load_idx %arg14[%parallel_loop3A_23, %parallel_loop3A_97] : memref<1000x16xi32, #tpu.memory_space<vmem>>[vector<16xi32>, vector<16xi32>], vector<16xi32>,
      %parallel_loop3A_99 = arith.constant 9 : i32
      %parallel_loop3A_100 = vector.broadcast %parallel_loop3A_99 : i32 to vector<16xi32>
      %parallel_loop3A_101 = tpu.vector_load_idx %arg14[%parallel_loop3A_23, %parallel_loop3A_100] : memref<1000x16xi32, #tpu.memory_space<vmem>>[vector<16xi32>, vector<16xi32>], vector<16xi32>,
      %parallel_loop3A_102 = arith.constant 10 : i32
      %parallel_loop3A_103 = vector.broadcast %parallel_loop3A_102 : i32 to vector<16xi32>
      %parallel_loop3A_104 = tpu.vector_load_idx %arg14[%parallel_loop3A_23, %parallel_loop3A_103] : memref<1000x16xi32, #tpu.memory_space<vmem>>[vector<16xi32>, vector<16xi32>], vector<16xi32>,
      %parallel_loop3A_105 = arith.constant 11 : i32
      %parallel_loop3A_106 = vector.broadcast %parallel_loop3A_105 : i32 to vector<16xi32>
      %parallel_loop3A_107 = tpu.vector_load_idx %arg14[%parallel_loop3A_23, %parallel_loop3A_106] : memref<1000x16xi32, #tpu.memory_space<vmem>>[vector<16xi32>, vector<16xi32>], vector<16xi32>,
      %parallel_loop3A_108 = arith.constant 12 : i32
      %parallel_loop3A_109 = vector.broadcast %parallel_loop3A_108 : i32 to vector<16xi32>
      %parallel_loop3A_110 = tpu.vector_load_idx %arg14[%parallel_loop3A_23, %parallel_loop3A_109] : memref<1000x16xi32, #tpu.memory_space<vmem>>[vector<16xi32>, vector<16xi32>], vector<16xi32>,
      %parallel_loop3A_111 = arith.constant 13 : i32
      %parallel_loop3A_112 = vector.broadcast %parallel_loop3A_111 : i32 to vector<16xi32>
      %parallel_loop3A_113 = tpu.vector_load_idx %arg14[%parallel_loop3A_23, %parallel_loop3A_112] : memref<1000x16xi32, #tpu.memory_space<vmem>>[vector<16xi32>, vector<16xi32>], vector<16xi32>,
      %parallel_loop3A_114 = arith.constant 14 : i32
      %parallel_loop3A_115 = vector.broadcast %parallel_loop3A_114 : i32 to vector<16xi32>
      %parallel_loop3A_116 = tpu.vector_load_idx %arg14[%parallel_loop3A_23, %parallel_loop3A_115] : memref<1000x16xi32, #tpu.memory_space<vmem>>[vector<16xi32>, vector<16xi32>], vector<16xi32>,
      %parallel_loop3A_117 = arith.constant 15 : i32
      %parallel_loop3A_118 = vector.broadcast %parallel_loop3A_117 : i32 to vector<16xi32>
      %parallel_loop3A_119 = tpu.vector_load_idx %arg14[%parallel_loop3A_23, %parallel_loop3A_118] : memref<1000x16xi32, #tpu.memory_space<vmem>>[vector<16xi32>, vector<16xi32>], vector<16xi32>,
      %parallel_loop3A_120 = arith.constant 0 : i32
      %parallel_loop3A_121 = arith.index_cast %parallel_loop3A_120 : i32 to index
      %parallel_loop3A_122 = arith.index_cast %parallel_loop3A_17 : i32 to index
      %parallel_loop3A_123 = tpu.vector_load %arg15[%parallel_loop3A_121, %parallel_loop3A_122] {strides = array<i32>} : memref<32x512xi32, #tpu.memory_space<vmem>>, vector<16xi32>,
      tpu.vector_store %arg15[%parallel_loop3A_121, %parallel_loop3A_122], %parallel_loop3A_26 {strides = array<i32>} : memref<32x512xi32, #tpu.memory_space<vmem>>, vector<16xi32>,
      %parallel_loop3A_124 = arith.constant 1 : i32
      %parallel_loop3A_125 = arith.index_cast %parallel_loop3A_124 : i32 to index
      %parallel_loop3A_126 = arith.index_cast %parallel_loop3A_17 : i32 to index
      %parallel_loop3A_127 = tpu.vector_load %arg15[%parallel_loop3A_125, %parallel_loop3A_126] {strides = array<i32>} : memref<32x512xi32, #tpu.memory_space<vmem>>, vector<16xi32>,
      tpu.vector_store %arg15[%parallel_loop3A_125, %parallel_loop3A_126], %parallel_loop3A_29 {strides = array<i32>} : memref<32x512xi32, #tpu.memory_space<vmem>>, vector<16xi32>,
      %parallel_loop3A_128 = arith.constant 2 : i32
      %parallel_loop3A_129 = arith.index_cast %parallel_loop3A_128 : i32 to index
      %parallel_loop3A_130 = arith.index_cast %parallel_loop3A_17 : i32 to index
      %parallel_loop3A_131 = tpu.vector_load %arg15[%parallel_loop3A_129, %parallel_loop3A_130] {strides = array<i32>} : memref<32x512xi32, #tpu.memory_space<vmem>>, vector<16xi32>,
      tpu.vector_store %arg15[%parallel_loop3A_129, %parallel_loop3A_130], %parallel_loop3A_32 {strides = array<i32>} : memref<32x512xi32, #tpu.memory_space<vmem>>, vector<16xi32>,
      %parallel_loop3A_132 = arith.constant 3 : i32
      %parallel_loop3A_133 = arith.index_cast %parallel_loop3A_132 : i32 to index
      %parallel_loop3A_134 = arith.index_cast %parallel_loop3A_17 : i32 to index
      %parallel_loop3A_135 = tpu.vector_load %arg15[%parallel_loop3A_133, %parallel_loop3A_134] {strides = array<i32>} : memref<32x512xi32, #tpu.memory_space<vmem>>, vector<16xi32>,
      tpu.vector_store %arg15[%parallel_loop3A_133, %parallel_loop3A_134], %parallel_loop3A_35 {strides = array<i32>} : memref<32x512xi32, #tpu.memory_space<vmem>>, vector<16xi32>,
      %parallel_loop3A_136 = arith.constant 4 : i32
      %parallel_loop3A_137 = arith.index_cast %parallel_loop3A_136 : i32 to index
      %parallel_loop3A_138 = arith.index_cast %parallel_loop3A_17 : i32 to index
      %parallel_loop3A_139 = tpu.vector_load %arg15[%parallel_loop3A_137, %parallel_loop3A_138] {strides = array<i32>} : memref<32x512xi32, #tpu.memory_space<vmem>>, vector<16xi32>,
      tpu.vector_store %arg15[%parallel_loop3A_137, %parallel_loop3A_138], %parallel_loop3A_38 {strides = array<i32>} : memref<32x512xi32, #tpu.memory_space<vmem>>, vector<16xi32>,
      %parallel_loop3A_140 = arith.constant 5 : i32
      %parallel_loop3A_141 = arith.index_cast %parallel_loop3A_140 : i32 to index
      %parallel_loop3A_142 = arith.index_cast %parallel_loop3A_17 : i32 to index
      %parallel_loop3A_143 = tpu.vector_load %arg15[%parallel_loop3A_141, %parallel_loop3A_142] {strides = array<i32>} : memref<32x512xi32, #tpu.memory_space<vmem>>, vector<16xi32>,
      tpu.vector_store %arg15[%parallel_loop3A_141, %parallel_loop3A_142], %parallel_loop3A_41 {strides = array<i32>} : memref<32x512xi32, #tpu.memory_space<vmem>>, vector<16xi32>,
      %parallel_loop3A_144 = arith.constant 6 : i32
      %parallel_loop3A_145 = arith.index_cast %parallel_loop3A_144 : i32 to index
      %parallel_loop3A_146 = arith.index_cast %parallel_loop3A_17 : i32 to index
      %parallel_loop3A_147 = tpu.vector_load %arg15[%parallel_loop3A_145, %parallel_loop3A_146] {strides = array<i32>} : memref<32x512xi32, #tpu.memory_space<vmem>>, vector<16xi32>,
      tpu.vector_store %arg15[%parallel_loop3A_145, %parallel_loop3A_146], %parallel_loop3A_44 {strides = array<i32>} : memref<32x512xi32, #tpu.memory_space<vmem>>, vector<16xi32>,
      %parallel_loop3A_148 = arith.constant 7 : i32
      %parallel_loop3A_149 = arith.index_cast %parallel_loop3A_148 : i32 to index
      %parallel_loop3A_150 = arith.index_cast %parallel_loop3A_17 : i32 to index
      %parallel_loop3A_151 = tpu.vector_load %arg15[%parallel_loop3A_149, %parallel_loop3A_150] {strides = array<i32>} : memref<32x512xi32, #tpu.memory_space<vmem>>, vector<16xi32>,
      tpu.vector_store %arg15[%parallel_loop3A_149, %parallel_loop3A_150], %parallel_loop3A_47 {strides = array<i32>} : memref<32x512xi32, #tpu.memory_space<vmem>>, vector<16xi32>,
      %parallel_loop3A_152 = arith.constant 8 : i32
      %parallel_loop3A_153 = arith.index_cast %parallel_loop3A_152 : i32 to index
      %parallel_loop3A_154 = arith.index_cast %parallel_loop3A_17 : i32 to index
      %parallel_loop3A_155 = tpu.vector_load %arg15[%parallel_loop3A_153, %parallel_loop3A_154] {strides = array<i32>} : memref<32x512xi32, #tpu.memory_space<vmem>>, vector<16xi32>,
      tpu.vector_store %arg15[%parallel_loop3A_153, %parallel_loop3A_154], %parallel_loop3A_50 {strides = array<i32>} : memref<32x512xi32, #tpu.memory_space<vmem>>, vector<16xi32>,
      %parallel_loop3A_156 = arith.constant 9 : i32
      %parallel_loop3A_157 = arith.index_cast %parallel_loop3A_156 : i32 to index
      %parallel_loop3A_158 = arith.index_cast %parallel_loop3A_17 : i32 to index
      %parallel_loop3A_159 = tpu.vector_load %arg15[%parallel_loop3A_157, %parallel_loop3A_158] {strides = array<i32>} : memref<32x512xi32, #tpu.memory_space<vmem>>, vector<16xi32>,
      tpu.vector_store %arg15[%parallel_loop3A_157, %parallel_loop3A_158], %parallel_loop3A_53 {strides = array<i32>} : memref<32x512xi32, #tpu.memory_space<vmem>>, vector<16xi32>,
      %parallel_loop3A_160 = arith.constant 10 : i32
      %parallel_loop3A_161 = arith.index_cast %parallel_loop3A_160 : i32 to index
      %parallel_loop3A_162 = arith.index_cast %parallel_loop3A_17 : i32 to index
      %parallel_loop3A_163 = tpu.vector_load %arg15[%parallel_loop3A_161, %parallel_loop3A_162] {strides = array<i32>} : memref<32x512xi32, #tpu.memory_space<vmem>>, vector<16xi32>,
      tpu.vector_store %arg15[%parallel_loop3A_161, %parallel_loop3A_162], %parallel_loop3A_56 {strides = array<i32>} : memref<32x512xi32, #tpu.memory_space<vmem>>, vector<16xi32>,
      %parallel_loop3A_164 = arith.constant 11 : i32
      %parallel_loop3A_165 = arith.index_cast %parallel_loop3A_164 : i32 to index
      %parallel_loop3A_166 = arith.index_cast %parallel_loop3A_17 : i32 to index
      %parallel_loop3A_167 = tpu.vector_load %arg15[%parallel_loop3A_165, %parallel_loop3A_166] {strides = array<i32>} : memref<32x512xi32, #tpu.memory_space<vmem>>, vector<16xi32>,
      tpu.vector_store %arg15[%parallel_loop3A_165, %parallel_loop3A_166], %parallel_loop3A_59 {strides = array<i32>} : memref<32x512xi32, #tpu.memory_space<vmem>>, vector<16xi32>,
      %parallel_loop3A_168 = arith.constant 12 : i32
      %parallel_loop3A_169 = arith.index_cast %parallel_loop3A_168 : i32 to index
      %parallel_loop3A_170 = arith.index_cast %parallel_loop3A_17 : i32 to index
      %parallel_loop3A_171 = tpu.vector_load %arg15[%parallel_loop3A_169, %parallel_loop3A_170] {strides = array<i32>} : memref<32x512xi32, #tpu.memory_space<vmem>>, vector<16xi32>,
      tpu.vector_store %arg15[%parallel_loop3A_169, %parallel_loop3A_170], %parallel_loop3A_62 {strides = array<i32>} : memref<32x512xi32, #tpu.memory_space<vmem>>, vector<16xi32>,
      %parallel_loop3A_172 = arith.constant 13 : i32
      %parallel_loop3A_173 = arith.index_cast %parallel_loop3A_172 : i32 to index
      %parallel_loop3A_174 = arith.index_cast %parallel_loop3A_17 : i32 to index
      %parallel_loop3A_175 = tpu.vector_load %arg15[%parallel_loop3A_173, %parallel_loop3A_174] {strides = array<i32>} : memref<32x512xi32, #tpu.memory_space<vmem>>, vector<16xi32>,
      tpu.vector_store %arg15[%parallel_loop3A_173, %parallel_loop3A_174], %parallel_loop3A_65 {strides = array<i32>} : memref<32x512xi32, #tpu.memory_space<vmem>>, vector<16xi32>,
      %parallel_loop3A_176 = arith.constant 14 : i32
      %parallel_loop3A_177 = arith.index_cast %parallel_loop3A_176 : i32 to index
      %parallel_loop3A_178 = arith.index_cast %parallel_loop3A_17 : i32 to index
      %parallel_loop3A_179 = tpu.vector_load %arg15[%parallel_loop3A_177, %parallel_loop3A_178] {strides = array<i32>} : memref<32x512xi32, #tpu.memory_space<vmem>>, vector<16xi32>,
      tpu.vector_store %arg15[%parallel_loop3A_177, %parallel_loop3A_178], %parallel_loop3A_68 {strides = array<i32>} : memref<32x512xi32, #tpu.memory_space<vmem>>, vector<16xi32>,
      %parallel_loop3A_180 = arith.constant 15 : i32
      %parallel_loop3A_181 = arith.index_cast %parallel_loop3A_180 : i32 to index
      %parallel_loop3A_182 = arith.index_cast %parallel_loop3A_17 : i32 to index
      %parallel_loop3A_183 = tpu.vector_load %arg15[%parallel_loop3A_181, %parallel_loop3A_182] {strides = array<i32>} : memref<32x512xi32, #tpu.memory_space<vmem>>, vector<16xi32>,
      tpu.vector_store %arg15[%parallel_loop3A_181, %parallel_loop3A_182], %parallel_loop3A_71 {strides = array<i32>} : memref<32x512xi32, #tpu.memory_space<vmem>>, vector<16xi32>,
      %parallel_loop3A_184 = arith.constant 16 : i32
      %parallel_loop3A_185 = arith.index_cast %parallel_loop3A_184 : i32 to index
      %parallel_loop3A_186 = arith.index_cast %parallel_loop3A_17 : i32 to index
      %parallel_loop3A_187 = tpu.vector_load %arg15[%parallel_loop3A_185, %parallel_loop3A_186] {strides = array<i32>} : memref<32x512xi32, #tpu.memory_space<vmem>>, vector<16xi32>,
      tpu.vector_store %arg15[%parallel_loop3A_185, %parallel_loop3A_186], %parallel_loop3A_74 {strides = array<i32>} : memref<32x512xi32, #tpu.memory_space<vmem>>, vector<16xi32>,
      %parallel_loop3A_188 = arith.constant 17 : i32
      %parallel_loop3A_189 = arith.index_cast %parallel_loop3A_188 : i32 to index
      %parallel_loop3A_190 = arith.index_cast %parallel_loop3A_17 : i32 to index
      %parallel_loop3A_191 = tpu.vector_load %arg15[%parallel_loop3A_189, %parallel_loop3A_190] {strides = array<i32>} : memref<32x512xi32, #tpu.memory_space<vmem>>, vector<16xi32>,
      tpu.vector_store %arg15[%parallel_loop3A_189, %parallel_loop3A_190], %parallel_loop3A_77 {strides = array<i32>} : memref<32x512xi32, #tpu.memory_space<vmem>>, vector<16xi32>,
      %parallel_loop3A_192 = arith.constant 18 : i32
      %parallel_loop3A_193 = arith.index_cast %parallel_loop3A_192 : i32 to index
      %parallel_loop3A_194 = arith.index_cast %parallel_loop3A_17 : i32 to index
      %parallel_loop3A_195 = tpu.vector_load %arg15[%parallel_loop3A_193, %parallel_loop3A_194] {strides = array<i32>} : memref<32x512xi32, #tpu.memory_space<vmem>>, vector<16xi32>,
      tpu.vector_store %arg15[%parallel_loop3A_193, %parallel_loop3A_194], %parallel_loop3A_80 {strides = array<i32>} : memref<32x512xi32, #tpu.memory_space<vmem>>, vector<16xi32>,
      %parallel_loop3A_196 = arith.constant 19 : i32
      %parallel_loop3A_197 = arith.index_cast %parallel_loop3A_196 : i32 to index
      %parallel_loop3A_198 = arith.index_cast %parallel_loop3A_17 : i32 to index
      %parallel_loop3A_199 = tpu.vector_load %arg15[%parallel_loop3A_197, %parallel_loop3A_198] {strides = array<i32>} : memref<32x512xi32, #tpu.memory_space<vmem>>, vector<16xi32>,
      tpu.vector_store %arg15[%parallel_loop3A_197, %parallel_loop3A_198], %parallel_loop3A_83 {strides = array<i32>} : memref<32x512xi32, #tpu.memory_space<vmem>>, vector<16xi32>,
      %parallel_loop3A_200 = arith.constant 20 : i32
      %parallel_loop3A_201 = arith.index_cast %parallel_loop3A_200 : i32 to index
      %parallel_loop3A_202 = arith.index_cast %parallel_loop3A_17 : i32 to index
      %parallel_loop3A_203 = tpu.vector_load %arg15[%parallel_loop3A_201, %parallel_loop3A_202] {strides = array<i32>} : memref<32x512xi32, #tpu.memory_space<vmem>>, vector<16xi32>,
      tpu.vector_store %arg15[%parallel_loop3A_201, %parallel_loop3A_202], %parallel_loop3A_86 {strides = array<i32>} : memref<32x512xi32, #tpu.memory_space<vmem>>, vector<16xi32>,
      %parallel_loop3A_204 = arith.constant 21 : i32
      %parallel_loop3A_205 = arith.index_cast %parallel_loop3A_204 : i32 to index
      %parallel_loop3A_206 = arith.index_cast %parallel_loop3A_17 : i32 to index
      %parallel_loop3A_207 = tpu.vector_load %arg15[%parallel_loop3A_205, %parallel_loop3A_206] {strides = array<i32>} : memref<32x512xi32, #tpu.memory_space<vmem>>, vector<16xi32>,
      tpu.vector_store %arg15[%parallel_loop3A_205, %parallel_loop3A_206], %parallel_loop3A_89 {strides = array<i32>} : memref<32x512xi32, #tpu.memory_space<vmem>>, vector<16xi32>,
      %parallel_loop3A_208 = arith.constant 22 : i32
      %parallel_loop3A_209 = arith.index_cast %parallel_loop3A_208 : i32 to index
      %parallel_loop3A_210 = arith.index_cast %parallel_loop3A_17 : i32 to index
      %parallel_loop3A_211 = tpu.vector_load %arg15[%parallel_loop3A_209, %parallel_loop3A_210] {strides = array<i32>} : memref<32x512xi32, #tpu.memory_space<vmem>>, vector<16xi32>,
      tpu.vector_store %arg15[%parallel_loop3A_209, %parallel_loop3A_210], %parallel_loop3A_92 {strides = array<i32>} : memref<32x512xi32, #tpu.memory_space<vmem>>, vector<16xi32>,
      %parallel_loop3A_212 = arith.constant 23 : i32
      %parallel_loop3A_213 = arith.index_cast %parallel_loop3A_212 : i32 to index
      %parallel_loop3A_214 = arith.index_cast %parallel_loop3A_17 : i32 to index
      %parallel_loop3A_215 = tpu.vector_load %arg15[%parallel_loop3A_213, %parallel_loop3A_214] {strides = array<i32>} : memref<32x512xi32, #tpu.memory_space<vmem>>, vector<16xi32>,
      tpu.vector_store %arg15[%parallel_loop3A_213, %parallel_loop3A_214], %parallel_loop3A_95 {strides = array<i32>} : memref<32x512xi32, #tpu.memory_space<vmem>>, vector<16xi32>,
      %parallel_loop3A_216 = arith.constant 24 : i32
      %parallel_loop3A_217 = arith.index_cast %parallel_loop3A_216 : i32 to index
      %parallel_loop3A_218 = arith.index_cast %parallel_loop3A_17 : i32 to index
      %parallel_loop3A_219 = tpu.vector_load %arg15[%parallel_loop3A_217, %parallel_loop3A_218] {strides = array<i32>} : memref<32x512xi32, #tpu.memory_space<vmem>>, vector<16xi32>,
      tpu.vector_store %arg15[%parallel_loop3A_217, %parallel_loop3A_218], %parallel_loop3A_98 {strides = array<i32>} : memref<32x512xi32, #tpu.memory_space<vmem>>, vector<16xi32>,
      %parallel_loop3A_220 = arith.constant 25 : i32
      %parallel_loop3A_221 = arith.index_cast %parallel_loop3A_220 : i32 to index
      %parallel_loop3A_222 = arith.index_cast %parallel_loop3A_17 : i32 to index
      %parallel_loop3A_223 = tpu.vector_load %arg15[%parallel_loop3A_221, %parallel_loop3A_222] {strides = array<i32>} : memref<32x512xi32, #tpu.memory_space<vmem>>, vector<16xi32>,
      tpu.vector_store %arg15[%parallel_loop3A_221, %parallel_loop3A_222], %parallel_loop3A_101 {strides = array<i32>} : memref<32x512xi32, #tpu.memory_space<vmem>>, vector<16xi32>,
      %parallel_loop3A_224 = arith.constant 26 : i32
      %parallel_loop3A_225 = arith.index_cast %parallel_loop3A_224 : i32 to index
      %parallel_loop3A_226 = arith.index_cast %parallel_loop3A_17 : i32 to index
      %parallel_loop3A_227 = tpu.vector_load %arg15[%parallel_loop3A_225, %parallel_loop3A_226] {strides = array<i32>} : memref<32x512xi32, #tpu.memory_space<vmem>>, vector<16xi32>,
      tpu.vector_store %arg15[%parallel_loop3A_225, %parallel_loop3A_226], %parallel_loop3A_104 {strides = array<i32>} : memref<32x512xi32, #tpu.memory_space<vmem>>, vector<16xi32>,
      %parallel_loop3A_228 = arith.constant 27 : i32
      %parallel_loop3A_229 = arith.index_cast %parallel_loop3A_228 : i32 to index
      %parallel_loop3A_230 = arith.index_cast %parallel_loop3A_17 : i32 to index
      %parallel_loop3A_231 = tpu.vector_load %arg15[%parallel_loop3A_229, %parallel_loop3A_230] {strides = array<i32>} : memref<32x512xi32, #tpu.memory_space<vmem>>, vector<16xi32>,
      tpu.vector_store %arg15[%parallel_loop3A_229, %parallel_loop3A_230], %parallel_loop3A_107 {strides = array<i32>} : memref<32x512xi32, #tpu.memory_space<vmem>>, vector<16xi32>,
      %parallel_loop3A_232 = arith.constant 28 : i32
      %parallel_loop3A_233 = arith.index_cast %parallel_loop3A_232 : i32 to index
      %parallel_loop3A_234 = arith.index_cast %parallel_loop3A_17 : i32 to index
      %parallel_loop3A_235 = tpu.vector_load %arg15[%parallel_loop3A_233, %parallel_loop3A_234] {strides = array<i32>} : memref<32x512xi32, #tpu.memory_space<vmem>>, vector<16xi32>,
      tpu.vector_store %arg15[%parallel_loop3A_233, %parallel_loop3A_234], %parallel_loop3A_110 {strides = array<i32>} : memref<32x512xi32, #tpu.memory_space<vmem>>, vector<16xi32>,
      %parallel_loop3A_236 = arith.constant 29 : i32
      %parallel_loop3A_237 = arith.index_cast %parallel_loop3A_236 : i32 to index
      %parallel_loop3A_238 = arith.index_cast %parallel_loop3A_17 : i32 to index
      %parallel_loop3A_239 = tpu.vector_load %arg15[%parallel_loop3A_237, %parallel_loop3A_238] {strides = array<i32>} : memref<32x512xi32, #tpu.memory_space<vmem>>, vector<16xi32>,
      tpu.vector_store %arg15[%parallel_loop3A_237, %parallel_loop3A_238], %parallel_loop3A_113 {strides = array<i32>} : memref<32x512xi32, #tpu.memory_space<vmem>>, vector<16xi32>,
      %parallel_loop3A_240 = arith.constant 30 : i32
      %parallel_loop3A_241 = arith.index_cast %parallel_loop3A_240 : i32 to index
      %parallel_loop3A_242 = arith.index_cast %parallel_loop3A_17 : i32 to index
      %parallel_loop3A_243 = tpu.vector_load %arg15[%parallel_loop3A_241, %parallel_loop3A_242] {strides = array<i32>} : memref<32x512xi32, #tpu.memory_space<vmem>>, vector<16xi32>,
      tpu.vector_store %arg15[%parallel_loop3A_241, %parallel_loop3A_242], %parallel_loop3A_116 {strides = array<i32>} : memref<32x512xi32, #tpu.memory_space<vmem>>, vector<16xi32>,
      %parallel_loop3A_244 = arith.constant 31 : i32
      %parallel_loop3A_245 = arith.index_cast %parallel_loop3A_244 : i32 to index
      %parallel_loop3A_246 = arith.index_cast %parallel_loop3A_17 : i32 to index
      %parallel_loop3A_247 = tpu.vector_load %arg15[%parallel_loop3A_245, %parallel_loop3A_246] {strides = array<i32>} : memref<32x512xi32, #tpu.memory_space<vmem>>, vector<16xi32>,
      tpu.vector_store %arg15[%parallel_loop3A_245, %parallel_loop3A_246], %parallel_loop3A_119 {strides = array<i32>} : memref<32x512xi32, #tpu.memory_space<vmem>>, vector<16xi32>,
    } {sc.loop_unroll_factor = 1 : i64, sc.parallel_access}
    "tpu.region"() ({
      %run_scoped3A = tpu.sem_alloc : memref<!tpu.dma_semaphore, #tpu.memory_space<semaphore_mem>>
      %dma_start3A_15 = arith.constant 0 : i32
      %dma_start3A_16 = tpu.memref_slice %arg8[%dma_start3A_15, %mul3A_2] : memref<32x16384xi32, #tpu.memory_space<hbm>> -> memref<32x512xi32, #tpu.memory_space<hbm>>
      %dma_start3A_17 = arith.constant 0 : i32
      %dma_start3A_18 = tpu.memref_slice %arg8[%dma_start3A_17, %mul3A_2] : memref<32x16384xi32, #tpu.memory_space<hbm>> -> memref<32x512xi32, #tpu.memory_space<hbm>>
      tpu.enqueue_dma source(%arg15 : memref<32x512xi32, #tpu.memory_space<vmem>>) target(%dma_start3A_18 : memref<32x512xi32, #tpu.memory_space<hbm>>) target_semaphore(%run_scoped3A : memref<!tpu.dma_semaphore, #tpu.memory_space<semaphore_mem>>)
      %dma_wait3A_19 = arith.constant 0 : i32
      %dma_wait3A_20 = tpu.memref_slice %arg8[%dma_wait3A_19, %mul3A_2] : memref<32x16384xi32, #tpu.memory_space<hbm>> -> memref<32x512xi32, #tpu.memory_space<hbm>>
      %dma_wait3A_21 = arith.constant 0 : i32
      %dma_wait3A_22 = tpu.memref_slice %arg8[%dma_wait3A_21, %mul3A_2] : memref<32x16384xi32, #tpu.memory_space<hbm>> -> memref<32x512xi32, #tpu.memory_space<hbm>>
      tpu.wait_dma2 semaphore(%run_scoped3A : memref<!tpu.dma_semaphore, #tpu.memory_space<semaphore_mem>>) src(%arg15 : memref<32x512xi32, #tpu.memory_space<vmem>>) dst(%dma_wait3A_22 : memref<32x512xi32, #tpu.memory_space<hbm>>)
      tpu.yield
    }) : () -> ()
    return
  }
}

module attributes {stable_mosaic.version = 14 : i64} {
  func.func @_mlp_body(%arg0: memref<32x16384xi32, #tpu.memory_space<vmem>>, %arg1: memref<32x128xbf16, #tpu.memory_space<vmem>>, %arg2: memref<32x128xbf16, #tpu.memory_space<vmem>>, %arg3: memref<1x128xf32, #tpu.memory_space<vmem>>, %arg4: memref<1x128xf32, #tpu.memory_space<vmem>>, %arg5: memref<1x128xf32, #tpu.memory_space<vmem>>, %arg6: memref<128x128xf32, #tpu.memory_space<vmem>>, %arg7: memref<1x128xf32, #tpu.memory_space<vmem>>, %arg8: memref<1x128xf32, #tpu.memory_space<vmem>>, %arg9: memref<1x128xf32, #tpu.memory_space<vmem>>, %arg10: memref<128x1xf32, #tpu.memory_space<vmem>>, %arg11: memref<1x1xf32, #tpu.memory_space<vmem>>, %arg12: memref<16384x1xf32, #tpu.memory_space<vmem>>) attributes {dimension_semantics = [], scalar_prefetch = 0 : i64, scratch_operands = 0 : i64, tpu.core_type = #tpu.core_type<tc>} {
    %get3A = arith.constant 0 : index
    %get3A_0 = arith.constant 0 : index
    %get3A_1 = vector.load %arg0[%get3A, %get3A_0] : memref<32x16384xi32, #tpu.memory_space<vmem>>, vector<32x16384xi32>
    %shift_left3A = arith.constant 16 : i32
    %shift_left3A_2 = vector.broadcast %shift_left3A : i32 to vector<32x16384xi32>
    %shift_left3A_3 = arith.shli %get3A_1, %shift_left3A_2 : vector<32x16384xi32>
    %bitcast_convert_type3A = tpu.bitcast %shift_left3A_3 : vector<32x16384xi32> -> vector<32x16384xf32>
    %convert_element_type3A = arith.truncf %bitcast_convert_type3A : vector<32x16384xf32> to vector<32x16384xbf16>
    %and3A = arith.constant -65536 : i32
    %and3A_4 = vector.broadcast %and3A : i32 to vector<32x16384xi32>
    %and3A_5 = arith.andi %get3A_1, %and3A_4 : vector<32x16384xi32>
    %bitcast_convert_type3A_6 = tpu.bitcast %and3A_5 : vector<32x16384xi32> -> vector<32x16384xf32>
    %convert_element_type3A_7 = arith.truncf %bitcast_convert_type3A_6 : vector<32x16384xf32> to vector<32x16384xbf16>
    %get3A_8 = arith.constant 0 : index
    %get3A_9 = arith.constant 0 : index
    %get3A_10 = vector.load %arg1[%get3A_8, %get3A_9] : memref<32x128xbf16, #tpu.memory_space<vmem>>, vector<32x128xbf16>
    %dot_general3A = arith.constant dense<0.000000e+00> : vector<16384x128xf32>
    %dot_general3A_11 = tpu.matmul %convert_element_type3A, %get3A_10, %dot_general3A {dimension_numbers = #tpu.dot_dimension_numbers<[0], [0], [1], [1], [0, 1, 1, 1], [], []>, transpose_lhs_hint = false} : vector<32x16384xbf16>, vector<32x128xbf16>, vector<16384x128xf32> -> vector<16384x128xf32>
    %get3A_12 = arith.constant 0 : index
    %get3A_13 = arith.constant 0 : index
    %get3A_14 = vector.load %arg2[%get3A_12, %get3A_13] : memref<32x128xbf16, #tpu.memory_space<vmem>>, vector<32x128xbf16>
    %dot_general3A_15 = arith.constant dense<0.000000e+00> : vector<16384x128xf32>
    %dot_general3A_16 = tpu.matmul %convert_element_type3A_7, %get3A_14, %dot_general3A_15 {dimension_numbers = #tpu.dot_dimension_numbers<[0], [0], [1], [1], [0, 1, 1, 1], [], []>, transpose_lhs_hint = false} : vector<32x16384xbf16>, vector<32x128xbf16>, vector<16384x128xf32> -> vector<16384x128xf32>
    %add3A = arith.addf %dot_general3A_11, %dot_general3A_16 : vector<16384x128xf32>
    %get3A_17 = arith.constant 0 : index
    %get3A_18 = arith.constant 0 : index
    %get3A_19 = vector.load %arg3[%get3A_17, %get3A_18] : memref<1x128xf32, #tpu.memory_space<vmem>>, vector<1x128xf32>
    %add3A_20 = vector.broadcast %get3A_19 : vector<1x128xf32> to vector<16384x128xf32>
    %add3A_21 = arith.addf %add3A, %add3A_20 : vector<16384x128xf32>
    %reduce_sum3A = arith.constant dense<0.000000e+00> : vector<128xf32>
    %reduce_sum3A_22 = vector.multi_reduction <add>, %add3A_21, %reduce_sum3A [0] : vector<16384x128xf32> to vector<128xf32>
    %broadcast_in_dim3A = vector.shape_cast %reduce_sum3A_22 : vector<128xf32> to vector<1x128xf32>
    %mul3A = arith.constant 6.10351563E-5 : f32
    %mul3A_23 = vector.broadcast %mul3A : f32 to vector<1x128xf32>
    %mul3A_24 = arith.mulf %broadcast_in_dim3A, %mul3A_23 : vector<1x128xf32>
    %mul3A_25 = arith.mulf %add3A_21, %add3A_21 : vector<16384x128xf32>
    %reduce_sum3A_26 = arith.constant dense<0.000000e+00> : vector<128xf32>
    %reduce_sum3A_27 = vector.multi_reduction <add>, %mul3A_25, %reduce_sum3A_26 [0] : vector<16384x128xf32> to vector<128xf32>
    %broadcast_in_dim3A_28 = vector.shape_cast %reduce_sum3A_27 : vector<128xf32> to vector<1x128xf32>
    %mul3A_29 = arith.constant 6.10351563E-5 : f32
    %mul3A_30 = vector.broadcast %mul3A_29 : f32 to vector<1x128xf32>
    %mul3A_31 = arith.mulf %broadcast_in_dim3A_28, %mul3A_30 : vector<1x128xf32>
    %mul3A_32 = arith.mulf %mul3A_24, %mul3A_24 : vector<1x128xf32>
    %sub3A = arith.subf %mul3A_31, %mul3A_32 : vector<1x128xf32>
    %add3A_33 = arith.constant 9.99999974E-6 : f32
    %add3A_34 = vector.broadcast %add3A_33 : f32 to vector<1x128xf32>
    %add3A_35 = arith.addf %sub3A, %add3A_34 : vector<1x128xf32>
    %rsqrt3A = math.rsqrt %add3A_35 : vector<1x128xf32>
    %get3A_36 = arith.constant 0 : index
    %get3A_37 = arith.constant 0 : index
    %get3A_38 = vector.load %arg4[%get3A_36, %get3A_37] : memref<1x128xf32, #tpu.memory_space<vmem>>, vector<1x128xf32>
    %mul3A_39 = arith.mulf %rsqrt3A, %get3A_38 : vector<1x128xf32>
    %get3A_40 = arith.constant 0 : index
    %get3A_41 = arith.constant 0 : index
    %get3A_42 = vector.load %arg5[%get3A_40, %get3A_41] : memref<1x128xf32, #tpu.memory_space<vmem>>, vector<1x128xf32>
    %mul3A_43 = arith.mulf %mul3A_24, %mul3A_39 : vector<1x128xf32>
    %sub3A_44 = arith.subf %get3A_42, %mul3A_43 : vector<1x128xf32>
    %mul3A_45 = vector.broadcast %mul3A_39 : vector<1x128xf32> to vector<16384x128xf32>
    %mul3A_46 = arith.mulf %add3A_21, %mul3A_45 : vector<16384x128xf32>
    %add3A_47 = vector.broadcast %sub3A_44 : vector<1x128xf32> to vector<16384x128xf32>
    %add3A_48 = arith.addf %mul3A_46, %add3A_47 : vector<16384x128xf32>
    %max3A = arith.constant 0.000000e+00 : f32
    %max3A_49 = vector.broadcast %max3A : f32 to vector<16384x128xf32>
    %max3A_50 = arith.maximumf %add3A_48, %max3A_49 : vector<16384x128xf32>
    %get3A_51 = arith.constant 0 : index
    %get3A_52 = arith.constant 0 : index
    %get3A_53 = vector.load %arg6[%get3A_51, %get3A_52] : memref<128x128xf32, #tpu.memory_space<vmem>>, vector<128x128xf32>
    %dot_general3A_54 = arith.constant dense<0.000000e+00> : vector<16384x128xf32>
    %dot_general3A_55 = tpu.matmul %max3A_50, %get3A_53, %dot_general3A_54 {dimension_numbers = #tpu.dot_dimension_numbers<[1], [0], [0], [1], [0, 0, 1, 1], [], []>, transpose_lhs_hint = false} : vector<16384x128xf32>, vector<128x128xf32>, vector<16384x128xf32> -> vector<16384x128xf32>
    %get3A_56 = arith.constant 0 : index
    %get3A_57 = arith.constant 0 : index
    %get3A_58 = vector.load %arg7[%get3A_56, %get3A_57] : memref<1x128xf32, #tpu.memory_space<vmem>>, vector<1x128xf32>
    %add3A_59 = vector.broadcast %get3A_58 : vector<1x128xf32> to vector<16384x128xf32>
    %add3A_60 = arith.addf %dot_general3A_55, %add3A_59 : vector<16384x128xf32>
    %reduce_sum3A_61 = arith.constant dense<0.000000e+00> : vector<128xf32>
    %reduce_sum3A_62 = vector.multi_reduction <add>, %add3A_60, %reduce_sum3A_61 [0] : vector<16384x128xf32> to vector<128xf32>
    %broadcast_in_dim3A_63 = vector.shape_cast %reduce_sum3A_62 : vector<128xf32> to vector<1x128xf32>
    %mul3A_64 = arith.constant 6.10351563E-5 : f32
    %mul3A_65 = vector.broadcast %mul3A_64 : f32 to vector<1x128xf32>
    %mul3A_66 = arith.mulf %broadcast_in_dim3A_63, %mul3A_65 : vector<1x128xf32>
    %mul3A_67 = arith.mulf %add3A_60, %add3A_60 : vector<16384x128xf32>
    %reduce_sum3A_68 = arith.constant dense<0.000000e+00> : vector<128xf32>
    %reduce_sum3A_69 = vector.multi_reduction <add>, %mul3A_67, %reduce_sum3A_68 [0] : vector<16384x128xf32> to vector<128xf32>
    %broadcast_in_dim3A_70 = vector.shape_cast %reduce_sum3A_69 : vector<128xf32> to vector<1x128xf32>
    %mul3A_71 = arith.constant 6.10351563E-5 : f32
    %mul3A_72 = vector.broadcast %mul3A_71 : f32 to vector<1x128xf32>
    %mul3A_73 = arith.mulf %broadcast_in_dim3A_70, %mul3A_72 : vector<1x128xf32>
    %mul3A_74 = arith.mulf %mul3A_66, %mul3A_66 : vector<1x128xf32>
    %sub3A_75 = arith.subf %mul3A_73, %mul3A_74 : vector<1x128xf32>
    %add3A_76 = arith.constant 9.99999974E-6 : f32
    %add3A_77 = vector.broadcast %add3A_76 : f32 to vector<1x128xf32>
    %add3A_78 = arith.addf %sub3A_75, %add3A_77 : vector<1x128xf32>
    %rsqrt3A_79 = math.rsqrt %add3A_78 : vector<1x128xf32>
    %get3A_80 = arith.constant 0 : index
    %get3A_81 = arith.constant 0 : index
    %get3A_82 = vector.load %arg8[%get3A_80, %get3A_81] : memref<1x128xf32, #tpu.memory_space<vmem>>, vector<1x128xf32>
    %mul3A_83 = arith.mulf %rsqrt3A_79, %get3A_82 : vector<1x128xf32>
    %get3A_84 = arith.constant 0 : index
    %get3A_85 = arith.constant 0 : index
    %get3A_86 = vector.load %arg9[%get3A_84, %get3A_85] : memref<1x128xf32, #tpu.memory_space<vmem>>, vector<1x128xf32>
    %mul3A_87 = arith.mulf %mul3A_66, %mul3A_83 : vector<1x128xf32>
    %sub3A_88 = arith.subf %get3A_86, %mul3A_87 : vector<1x128xf32>
    %mul3A_89 = vector.broadcast %mul3A_83 : vector<1x128xf32> to vector<16384x128xf32>
    %mul3A_90 = arith.mulf %add3A_60, %mul3A_89 : vector<16384x128xf32>
    %add3A_91 = vector.broadcast %sub3A_88 : vector<1x128xf32> to vector<16384x128xf32>
    %add3A_92 = arith.addf %mul3A_90, %add3A_91 : vector<16384x128xf32>
    %max3A_93 = arith.constant 0.000000e+00 : f32
    %max3A_94 = vector.broadcast %max3A_93 : f32 to vector<16384x128xf32>
    %max3A_95 = arith.maximumf %add3A_92, %max3A_94 : vector<16384x128xf32>
    %get3A_96 = arith.constant 0 : index
    %get3A_97 = arith.constant 0 : index
    %get3A_98 = vector.load %arg10[%get3A_96, %get3A_97] : memref<128x1xf32, #tpu.memory_space<vmem>>, vector<128x1xf32>
    %dot_general3A_99 = arith.constant dense<0.000000e+00> : vector<16384x1xf32>
    %dot_general3A_100 = tpu.matmul %max3A_95, %get3A_98, %dot_general3A_99 {dimension_numbers = #tpu.dot_dimension_numbers<[1], [0], [0], [1], [0, 0, 1, 1], [], []>, transpose_lhs_hint = false} : vector<16384x128xf32>, vector<128x1xf32>, vector<16384x1xf32> -> vector<16384x1xf32>
    %get3A_101 = arith.constant 0 : index
    %get3A_102 = arith.constant 0 : index
    %get3A_103 = vector.load %arg11[%get3A_101, %get3A_102] : memref<1x1xf32, #tpu.memory_space<vmem>>, vector<1x1xf32>
    %add3A_104 = vector.broadcast %get3A_103 : vector<1x1xf32> to vector<16384x1xf32>
    %add3A_105 = arith.addf %dot_general3A_100, %add3A_104 : vector<16384x1xf32>
    %swap3A = arith.constant 0 : index
    %swap3A_106 = arith.constant 0 : index
    %swap3A_107 = vector.load %arg12[%swap3A, %swap3A_106] : memref<16384x1xf32, #tpu.memory_space<vmem>>, vector<16384x1xf32>
    tpu.vector_store %arg12[%swap3A, %swap3A_106], %add3A_105 {strides = array<i32>} : memref<16384x1xf32, #tpu.memory_space<vmem>>, vector<16384x1xf32>,
    return
  }
}

</mosaic_0001>

<sc_bundles>
// kernel: kernel.4.cloned.1.call-start
scs
__scs_entry_jumppad:
0x0: {  	(pc) =	sbr.rel $0x88, $3  }
0x1: {  	(tag) =	ssettag $0x0;
	lr =	simm.s32 $0x1  }
0x2: {  	[smem:$0x3F91] =	sst lr;
	_ =	strace $0xD0000000  }
0x3: {  	_ = 	snop  }
0x4: {  	_ = 	snop  }
0x5: {  	_ = 	snop  }
0x6: {  	_ = 	snop  }
0x7: {  	_ = 	snop  }
__scs_overlays_trampoline_lowered:
0x8: {  	[smem:$0x3FA0] =	sst s0  }
0x9: {  	[smem:$0x3FA1] =	sst s1  }
0xa: {  	[smem:$0x3FA2] =	sst s2  }
0xb: {  	[smem:$0x3FA3] =	sst s3  }
0xc: {  	[smem:$0x3FA4] =	sst s4  }
0xd: {  	[smem:$0x3FA5] =	sst s5  }
0xe: {  	[smem:$0x3FA6] =	sst s6  }
0xf: {  	[smem:$0x3FA7] =	sst s7  }
0x10: {  	[smem:$0x3FA8] =	sst s8  }
0x11: {  	[smem:$0x3FA9] =	sst s9;
	s0 =	simm.s32 @!p0 $0x0  }
0x12: {  	s1 =	sld [smem:$0x3F8F];
	s0 =	simm.s32 @p0 $0x1  }
0x13: {  	[smem:$0x3FAA] =	sst s0;
	s0 =	simm.s32 @!p1 $0x0  }
0x14: {  	s2 =	sld [smem:$0x3F8E];
	s0 =	simm.s32 @p1 $0x1  }
0x15: {  	[smem:$0x3FAB] =	sst s0;
	s0 =	simm.s32 @!p2 $0x0  }
0x16: {  	s3 =	sld [smem:$0x3FDB];
	s0 =	simm.s32 @p2 $0x1  }
0x17: {  	s4 =	simm.s32 $0x1BF5;
	[smem:$0x3FAD] =	sst s0  }
0x18: {  	s0 =	sld [smem:$0x3F90];
	_ =	swait.ge [sflag:s4], $0x0  }
0x19: {  	s7 =	sld [smem:$0x3F91]  }
0x1a: {  	s8 =	sadd.s32 $0xFFFFE003, lr  }
0x1b: {  	s9 =	sadd.s32 $0xFFFFFEF7, lr;
	s5 =	simm.s32 $0xFFFFFFFF;
	p2 =	slt.u32 s8, $0xFFFFF086  }
0x1c: {  	p1 =	slt.u32 s9, $0xF7A;
	s5 =	simm.s32 @!p2 $0x0  }
0x1d: {  	s5 =	simm.s32 @p1 $0x1;
	p0 =	seq.s32 s7, s2  }
0x1e: {  	s7 =	smul.u32 @!p0 $0xF7A, s2;
	p2 =	seq.s32 @!p0 s5, $0x0  }
0x1f: {  	s9 =	smul.u32 $0xF7A, s1;
	s8 =	simm.s32 @!p0 $0x1BF5;
	p2 =	por !p2, p0  }
0x20: {  	[sflag:s8] =	ssyncset.s32 @!p0 $0xFFFFF086;
	s6 =	sadd.s32 @!p0 s3, s7;
	s7 =	simm.s32 @!p0 $0x108  }
0x21: {  	s3 =	sadd.s32 s3, s9;
	s6 =	sadd.s32 @!p0 $0x88, s6;
	s7 =	simm.s32 @p2 $0x1082  }
0x22: {  	[simem:s7], [sflag:s8] =	dma.local @!p0 [hbm:s6], $0xF7A  }
0x23: {  	s9 =	sor.u32 $0xD0000000, s2;
	s6 =	simm.s32 $0x108;
	_ =	swait.ge @!p0 [sflag:s8], $0x0  }
0x24: {  	s3 =	sadd.s32 $0x88, s3;
	s6 =	simm.s32 @!p1 $0x1082;
	[sflag:s4] =	ssyncset.s32 $0xFFFFF086  }
0x25: {  	[simem:s6], [sflag:s4] =	dma.local [hbm:s3], $0xF7A  }
0x26: {  	[smem:$0x3F91] =	sst s1;
	(tag) =	ssettag s2;
	_ =	strace s9  }
0x27: {  	s1 =	sld [smem:$0x3FA1]  }
0x28: {  	s2 =	sld [smem:$0x3FA2]  }
0x29: {  	s4 =	sld [smem:$0x3FA4]  }
0x2a: {  	p0 =	seq.s32 s5, $0x0;
	s5 =	sld [smem:$0x3FA5]  }
0x2b: {  	s6 =	sld [smem:$0x3FA6]  }
0x2c: {  	s7 =	sld [smem:$0x3FA7]  }
0x2d: {  	s3 =	simm.s32 $0x108;
	s8 =	sld [smem:$0x3FA8]  }
0x2e: {  	s3 =	simm.s32 @!p0 $0x1082;
	s9 =	sld [smem:$0x3FA9]  }
0x2f: {  	lr =	sadd.s32 s0, s3;
	s0 =	sld [smem:$0x3FA0]  }
0x30: {  	s3 =	sld [smem:$0x3FA3]  }
0x31: {  	[smem:$0x3FAC] =	sst s10  }
0x32: {  	s10 =	sld [smem:$0x3FAA];
	_ =	sdelay $0x3  }
0x33: {  	p0 =	seq.s32 s10, $0x1;
	s10 =	sld [smem:$0x3FAC];
	_ =	sdelay $0x3  }
0x34: {  	[smem:$0x3FAC] =	sst s10  }
0x35: {  	s10 =	sld [smem:$0x3FAB];
	_ =	sdelay $0x3  }
0x36: {  	p1 =	seq.s32 s10, $0x1;
	s10 =	sld [smem:$0x3FAC];
	_ =	sdelay $0x3  }
0x37: {  	[smem:$0x3FAC] =	sst s10  }
0x38: {  	s10 =	sld [smem:$0x3FAD]  }
0x39: {  	_ = 	snop;
	(pc) =	sbr.ind lr, $3  }
0x3a: {  	_ = 	snop  }
0x3b: {  	_ = 	snop  }
0x3c: {  	p2 =	seq.s32 s10, $0x1;
	s10 =	sld [smem:$0x3FAC]  }
0x3d: {  	_ =	shalt  }
0x3e: {  	_ =	shalt  }
0x3f: {  	_ =	shalt  }
0x40: {  	_ =	shalt  }
0x41: {  	_ =	shalt  }
0x42: {  	_ =	shalt  }
0x43: {  	_ =	shalt  }
0x44: {  	_ =	shalt  }
0x45: {  	_ =	shalt  }
0x46: {  	_ =	shalt  }
0x47: {  	_ =	shalt  }
0x48: {  	_ =	shalt  }
0x49: {  	_ =	shalt  }
0x4a: {  	_ =	shalt  }
0x4b: {  	_ =	shalt  }
0x4c: {  	_ =	shalt  }
0x4d: {  	_ =	shalt  }
0x4e: {  	_ =	shalt  }
0x4f: {  	_ =	shalt  }
0x50: {  	_ =	shalt  }
0x51: {  	_ =	shalt  }
0x52: {  	_ =	shalt  }
0x53: {  	_ =	shalt  }
0x54: {  	_ =	shalt  }
0x55: {  	_ =	shalt  }
0x56: {  	_ =	shalt  }
0x57: {  	_ =	shalt  }
0x58: {  	_ =	shalt  }
0x59: {  	_ =	shalt  }
0x5a: {  	_ =	shalt  }
0x5b: {  	_ =	shalt  }
0x5c: {  	_ =	shalt  }
0x5d: {  	_ =	shalt  }
0x5e: {  	_ =	shalt  }
0x5f: {  	_ =	shalt  }
0x60: {  	_ =	shalt  }
0x61: {  	_ =	shalt  }
0x62: {  	_ =	shalt  }
0x63: {  	_ =	shalt  }
0x64: {  	_ =	shalt  }
0x65: {  	_ =	shalt  }
0x66: {  	_ =	shalt  }
0x67: {  	_ =	shalt  }
0x68: {  	_ =	shalt  }
0x69: {  	_ =	shalt  }
0x6a: {  	_ =	shalt  }
0x6b: {  	_ =	shalt  }
0x6c: {  	_ =	shalt  }
0x6d: {  	_ =	shalt  }
0x6e: {  	_ =	shalt  }
0x6f: {  	_ =	shalt  }
0x70: {  	_ =	shalt  }
0x71: {  	_ =	shalt  }
0x72: {  	_ =	shalt  }
0x73: {  	_ =	shalt  }
0x74: {  	_ =	shalt  }
0x75: {  	_ =	shalt  }
0x76: {  	_ =	shalt  }
0x77: {  	_ =	shalt  }
0x78: {  	_ =	shalt  }
0x79: {  	_ =	shalt  }
0x7a: {  	_ =	shalt  }
0x7b: {  	_ =	shalt  }
0x7c: {  	_ =	shalt  }
0x7d: {  	_ =	shalt  }
0x7e: {  	_ =	shalt  }
0x7f: {  	_ =	shalt  }
0x80: {  	_ =	shalt  }
0x81: {  	_ =	shalt  }
0x82: {  	_ =	shalt  }
0x83: {  	_ =	shalt  }
0x84: {  	_ =	shalt  }
0x85: {  	_ =	shalt  }
0x86: {  	_ =	shalt  }
0x87: {  	_ =	shalt  }
.Lfunc_end0:
.L_simem_size_0:
called_computation_lowered:
.L_overlay_start_0:
0x88: {  	s2 =	sld [smem:$0x3FD9]  }
0x89: {  	s3 =	sld [smem:$0x3FFE];
	_ =	sdelay $0x1  }
0x8a: {  	s1 =	srdreg.scid  }
0x8b: {  	s0 =	sand.u32 $0x1, s1  }
0x8c: {  	s17 =	sshll.u32 s0, $0xA;
	s2 =	sadd.s32 s3, s2  }
0x8d: {  	s2 =	sadd.s32 s2, s17  }
0x8e: {  	[smem:$0x3FB8] =	sst s2  }
0x8f: {  	_ = 	snop  }
0x90: {  	s2 =	sld [smem:$0x3FC9]  }
0x91: {  	s18 =	sld [smem:$0x3FC8]  }
0x92: {  	s4 =	sld [smem:$0x3FC7]  }
0x93: {  	s5 =	sld [smem:$0x3FD0];
	(tm) =	ssettm $0x1  }
0x94: {  	s6 =	sld [smem:$0x3FFB];
	_ =	sdelay $0x3  }
0x95: {  	_ =	strace s6  }
0x96: {  	s6 =	sld [smem:$0x3FFC];
	_ =	sdelay $0x3  }
0x97: {  	_ =	strace s6  }
0x98: {  	s6 =	sld [smem:$0x3FFD];
	_ =	sdelay $0x3  }
0x99: {  	_ =	strace s6  }
0x9a: {  	_ =	strace $0x8FFFFFFF  }
0x9b: {  	s19 =	sld [smem:$0x3FDB];
	_ =	sdelay $0x1  }
0x9c: {  	s7 =	simm.s32 $_scs_section_size  }
0x9d: {  	s8 =	simm.s32 $_size__tile_overlayer_lowered;
	s9 =	simm.s32 $_tile_overlayer_lowered  }
0x9e: {  	s22 =	simm.s32 $0x1BFF;
	s21 =	sshll.u32 s9, $0x1;
	s6 =	sadd.s32 s7, s19  }
0x9f: {  	s10 =	simm.s32 $0x0;
	s20 =	sshll.u32 s8, $0x1;
	s8 =	sadd.s32 s21, s6  }
0xa0: {  	[timem:s10], [sflag:s22] =	dma.local [hbm:s8], s20  }
0xa1: {  	_ =	swait.ge [sflag:s22], s20  }
0xa2: {  	s7 =	ssub.s32 $0x0, s20;
	[sflag:s22] =	ssyncset.done $0x0  }
0xa3: {  	[sflag:s22] =	ssyncadd.s32 s7;
	_ =	sdelay $0x1  }
0xa4: {  	s23 =	simm.s32 $0x1B8B  }
0xa5: {  	_ =	swait.ge [sflag:s23], $0x1  }
0xa6: {  	[sflag:s23] =	ssyncset.done $0x0  }
0xa7: {  	s25 =	simm.s32 $0x1B8E;
	s24 =	sld [smem:$0x3FFE];
	[sflag:s23] =	ssyncadd.s32 $0xFFFFFFFF  }
0xa8: {  	s26 =	simm.s32 $execute0_lowered;
	[smem:$0x3FD2] =	sst s25  }
0xa9: {  	s8 =	sshll.u32 s26, $0x1;
	_ =	strace $0x80000046;
	[dreg:$0x1] =	wrdreg $0xFFFFFFFF  }
0xaa: {  	s28 =	simm.s32 $_size_execute0_lowered;
	s6 =	sadd.s32 s6, s8;
	[dreg:$0x0] =	wrdreg $0x0  }
0xab: {  	s8 =	sshll.u32 s28, $0x1;
	[dreg:$0x2] =	wrdreg s6  }
0xac: {  	[dreg:$0x3] =	wrdreg s8  }
0xad: {  	[dreg:$0x4] =	wrdreg $0xC0  }
0xae: {  	_ =	task [dreg:s10], $0x5FFFF  }
0xaf: {  	[dreg:$0x1] =	wrdreg $0xFFFFFFFF  }
0xb0: {  	[dreg:$0x0] =	wrdreg $0x60  }
0xb1: {  	[dreg:$0x2] =	wrdreg s2  }
0xb2: {  	[dreg:$0x3] =	wrdreg s18  }
0xb3: {  	[dreg:$0x4] =	wrdreg s4  }
0xb4: {  	[dreg:$0x5] =	wrdreg s24  }
0xb5: {  	[dreg:$0x6] =	wrdreg s5  }
0xb6: {  	[dreg:$0x7] =	wrdreg $0x9  }
0xb7: {  	_ =	task.clear_ibuf [dreg:s10], $0x8FFFF;
	_ =	strace $0x90000046  }
0xb8: {  	s29 =	simm.s32 $0x9;
	_ =	strace $0x80000048  }
0xb9: {  	_ =	swait.ge [sflag:s29], $0x1  }
0xba: {  	[sflag:s29] =	ssyncadd.s32 $0xFFFFFFFF  }
0xbb: {  	_ =	strace $0x90000048  }
0xbc: {  	_ =	sfence  }
0xbd: {  	s30 =	sld [smem:$0x0];
	_ =	sdelay $0x2  }
0xbe: {  	s31 =	sshll.u32 s1, $0xD;
	s1 =	sshrl.u32 s1, $0x2  }
0xbf: {  	s3 =	sand.u32 $0x4000, s31;
	s1 =	sadd.s32 s1, s30  }
0xc0: {  	s0 =	sor.u32 s3, s0;
	s1 =	sshll.u32 s1, $0x11  }
0xc1: {  	s0 =	sor.u32 s1, s0  }
0xc2: {  	s0 =	sadd.s32 $0x8F2B, s0  }
0xc3: {  	[sflag:s0] =	ssyncadd.remote.s32 $0x1  }
0xc4: {  	_ =	sfence.sel $0xFFFF  }
0xc5: {  	[dreg:$0x0] =	wrdreg $0xFFFFFFFF;
	(pc) =	sbr.abs _section_cstart, $3  }
0xc6: {  	[dreg:$0x1] =	wrdreg $0xFFFFFFFF  }
0xc7: {  	_ =	task.clear_ibuf [dreg:s10], $0x2FFFF;
	_ =	strace $0x9FFFFFFF  }
0xc8: {  	(tm) =	ssettm $0x7FFFFFFF  }
0xc9: {  	_ =	shalt  }
tec
execute0_lowered:
.L_overlay_start_1:
0x0: {  	(tag) =	ssettag $0x1  }
0x1: {  	s6 =	rddreg [dreg:$0x0]  }
0x2: {  	s7 =	rddreg [dreg:$0x1]  }
0x3: {  	s8 =	rddreg [dreg:$0x2]  }
0x4: {  	s9 =	rddreg [dreg:$0x3]  }
0x5: {  	s1 =	rddreg [dreg:$0x4]  }
0x6: {  	s0 =	rddreg [dreg:$0x5]  }
0x7: {  	s3 =	simm.s32 $0x0;
	s4 =	srdreg.scid;
	s2 =	stileid.u32  }
0x8: {  	s13 =	simm.s32 $0x600;
	s14 =	simm.s32 $0x640;
	s15 =	simm.s32 $0xA40  }
0x9: {  	s16 =	simm.s32 $0x1;
	s17 =	simm.s32 $0x4000;
	s18 =	simm.s32 $0x48C0  }
0xa: {  	s19 =	simm.s32 $0x2;
	s20 =	simm.s32 $0x0;
	[smem:$0x7FF] =	sst s3  }
0xb: {  	s4 =	sand.u32 $0x1, s4;
	s5 =	sshll.u32 s2, $0x7;
	_ =	strace $0x80000047  }
0xc: {  	s10 =	sshll.u32 s4, $0x6;
	s11 =	ssub.s32 $0x2, s4;
	s4 =	sadd.s32 $0x800, s9  }
0xd: {  	s10 =	sor.u32 s10, s5;
	s12 =	sshrl.u32 s11, $0x1;
	s5 =	sadd.s32 $0xA00, s9  }
0xe: {  	s9 =	sadd.s32 s10, s9;
	s11 =	ssub.s32 s11, s12;
	s6 =	sadd.s32 s6, s10  }
0xf: {  	s7 =	sadd.s32 s7, s10;
	s8 =	sadd.s32 s8, s10;
	s12 =	simm.s32 $0x400  }
0x10: {  	s9 =	sadd.s32 $0xC00, s9;
	s10 =	smax.u32 s11, $0x1;
	s11 =	simm.s32 $0x200  }
.LBB2_1:
0x11: {  	[tilespmem:s3], [sflag:$0x1] =	stream.linear.gather [hbm4b:s6+s3], $0x200, $0x38;
	[tilespmem:$0x88C0] =	vst v63  }
0x12: {  	_ = 	snop  }
0x13: {  	[tilespmem:s11], [sflag:$0x1] =	stream.linear.gather [hbm4b:s7+s3], $0x200, $0x38;
	[tilespmem:$0x88C0] =	vst v63  }
0x14: {  	_ = 	snop  }
0x15: {  	[tilespmem:s12], [sflag:$0x1] =	stream.linear.gather [hbm4b:s8+s3], $0x200, $0x38;
	[tilespmem:$0x88C0] =	vst v63  }
0x16: {  	_ = 	snop  }
0x17: {  	[tilespmem:s13], [sflag:$0x1] =	stream.linear.gather [hbm4b:s4+s3], $0x40, $0x38;
	[tilespmem:$0x88C0] =	vst v63  }
0x18: {  	_ = 	snop  }
0x19: {  	[tilespmem:s14], [sflag:$0x1] =	stream.linear.gather [hbm4b:s5+s3], $0x400, $0x38;
	[tilespmem:$0x88C0] =	vst v63  }
0x1a: {  	_ = 	snop  }
0x1b: {  	[tilespmem:s15], [sflag:$0x1] =	stream.linear.gather [hbm4b:s1+s3], $0x3E80, $0x38;
	[tilespmem:$0x88C0] =	vst v63  }
0x1c: {  	_ =	swait.ge [sflag:s16], $0x200  }
0x1d: {  	[sflag:s16] =	ssyncset.done $0x0  }
0x1e: {  	[sflag:s16] =	ssyncadd.s32 $0xFFFFFE00  }
0x1f: {  	_ =	swait.ge [sflag:s16], $0x200  }
0x20: {  	[sflag:s16] =	ssyncset.done $0x0  }
0x21: {  	[sflag:s16] =	ssyncadd.s32 $0xFFFFFE00  }
0x22: {  	_ =	swait.ge [sflag:s16], $0x200  }
0x23: {  	[sflag:s16] =	ssyncset.done $0x0  }
0x24: {  	[sflag:s16] =	ssyncadd.s32 $0xFFFFFE00  }
0x25: {  	_ =	swait.ge [sflag:s16], $0x40  }
0x26: {  	[sflag:s16] =	ssyncset.done $0x0  }
0x27: {  	[sflag:s16] =	ssyncadd.s32 $0xFFFFFFC0  }
0x28: {  	_ =	swait.ge [sflag:s16], $0x400  }
0x29: {  	[sflag:s16] =	ssyncset.done $0x0  }
0x2a: {  	[sflag:s16] =	ssyncadd.s32 $0xFFFFFC00  }
0x2b: {  	_ =	swait.ge [sflag:s16], $0x3E80  }
0x2c: {  	[sflag:s16] =	ssyncset.done $0x0  }
0x2d: {  	s21 =	simm.s32 $0x0;
	[sflag:s16] =	ssyncadd.s32 $0xFFFFC180  }
0x2e: {  	v0 =	vld [tilespmem:s21+$0x0]  }
0x2f: {  	v1 =	vld [tilespmem:s21+$0x200]  }
0x30: {  	v2 =	vld [tilespmem:s21+$0x400];
	_ =	sdelay $0x2  }
0x31: {  	v3 =	vshll.u32 v0, $0x3  }
0x32: {  	v4 =	vshll.u32 v1, $0x3  }
0x33: {  	v5 =	vshll.u32 v2, $0x4  }
0x34: {  	v6 =	vor.u32 $0x1, v3  }
0x35: {  	v7 =	vor.u32 $0x2, v3  }
0x36: {  	v8 =	vor.u32 $0x3, v3;
	v0 =	vld.idx.msk [tilespmem:v3+s13+$0x0], $0xffff  }
0x37: {  	v9 =	vor.u32 $0x4, v3;
	v1 =	vld.idx.msk [tilespmem:v4+s14+$0x0], $0xffff  }
0x38: {  	v10 =	vor.u32 $0x5, v3;
	v2 =	vld.idx.msk [tilespmem:v5+s15+$0x0], $0xffff  }
0x39: {  	v13 =	vor.u32 $0x2, v4;
	v11 =	vld.idx.msk [tilespmem:v6+s13+$0x0], $0xffff  }
0x3a: {  	v6 =	vor.u32 $0x6, v3;
	v12 =	vld.idx.msk [tilespmem:v7+s13+$0x0], $0xffff  }
0x3b: {  	v3 =	vor.u32 $0x7, v3;
	v8 =	vld.idx.msk [tilespmem:v8+s13+$0x0], $0xffff  }
0x3c: {  	v7 =	vor.u32 $0x1, v4;
	v9 =	vld.idx.msk [tilespmem:v9+s13+$0x0], $0xffff  }
0x3d: {  	v14 =	vor.u32 $0x3, v4;
	v10 =	vld.idx.msk [tilespmem:v10+s13+$0x0], $0xffff  }
0x3e: {  	v18 =	vor.u32 $0x1, v5;
	v13 =	vld.idx.msk [tilespmem:v13+s14+$0x0], $0xffff  }
0x3f: {  	v15 =	vld.idx.msk [tilespmem:v6+s13+$0x0], $0xffff;
	v6 =	vor.u32 $0x4, v4  }
0x40: {  	v16 =	vld.idx.msk [tilespmem:v3+s13+$0x0], $0xffff;
	v3 =	vor.u32 $0x5, v4  }
0x41: {  	v17 =	vld.idx.msk [tilespmem:v7+s14+$0x0], $0xffff;
	v7 =	vor.u32 $0x6, v4  }
0x42: {  	v14 =	vld.idx.msk [tilespmem:v14+s14+$0x0], $0xffff;
	v4 =	vor.u32 $0x7, v4  }
0x43: {  	v23 =	vor.u32 $0x6, v5;
	v18 =	vld.idx.msk [tilespmem:v18+s15+$0x0], $0xffff  }
0x44: {  	v19 =	vld.idx.msk [tilespmem:v6+s14+$0x0], $0xffff;
	v6 =	vor.u32 $0x2, v5  }
0x45: {  	v20 =	vld.idx.msk [tilespmem:v3+s14+$0x0], $0xffff;
	v3 =	vor.u32 $0x3, v5  }
0x46: {  	v21 =	vld.idx.msk [tilespmem:v7+s14+$0x0], $0xffff;
	v7 =	vor.u32 $0x4, v5  }
0x47: {  	v22 =	vld.idx.msk [tilespmem:v4+s14+$0x0], $0xffff;
	v4 =	vor.u32 $0x5, v5  }
0x48: {  	v28 =	vor.u32 $0xA, v5;
	v23 =	vld.idx.msk [tilespmem:v23+s15+$0x0], $0xffff  }
0x49: {  	v24 =	vld.idx.msk [tilespmem:v6+s15+$0x0], $0xffff;
	v6 =	vor.u32 $0x7, v5  }
0x4a: {  	v25 =	vld.idx.msk [tilespmem:v3+s15+$0x0], $0xffff;
	v3 =	vor.u32 $0x8, v5  }
0x4b: {  	v26 =	vld.idx.msk [tilespmem:v7+s15+$0x0], $0xffff;
	v7 =	vor.u32 $0xF, v5  }
0x4c: {  	v27 =	vld.idx.msk [tilespmem:v4+s15+$0x0], $0xffff;
	v4 =	vor.u32 $0x9, v5  }
0x4d: {  	v31 =	vor.u32 $0xD, v5;
	v28 =	vld.idx.msk [tilespmem:v28+s15+$0x0], $0xffff  }
0x4e: {  	v29 =	vld.idx.msk [tilespmem:v6+s15+$0x0], $0xffff;
	v6 =	vor.u32 $0xB, v5  }
0x4f: {  	v30 =	vld.idx.msk [tilespmem:v3+s15+$0x0], $0xffff;
	v3 =	vor.u32 $0xC, v5  }
0x50: {  	v32 =	vld.idx.msk [tilespmem:v7+s15+$0x0], $0xffff;
	v5 =	vor.u32 $0xE, v5  }
0x51: {  	v33 =	vld.idx.msk [tilespmem:v4+s15+$0x0], $0xffff  }
0x52: {  	v4 =	vld.idx.msk [tilespmem:v31+s15+$0x0], $0xffff  }
0x53: {  	v7 =	vld.idx.msk [tilespmem:v6+s15+$0x0], $0xffff  }
0x54: {  	v6 =	vld.idx.msk [tilespmem:v3+s15+$0x0], $0xffff  }
0x55: {  	s22 =	simm.s32 $0x10;
	v3 =	vld.idx.msk [tilespmem:v5+s15+$0x0], $0xffff;
	[tilespmem:s21+$0x86C0] =	vst v32  }
0x56: {  	v5 =	vld [tilespmem:s22+$0x0];
	[tilespmem:s21+$0x4AC0] =	vst v11  }
0x57: {  	v11 =	vld [tilespmem:s22+$0x200];
	[tilespmem:s21+$0x4CC0] =	vst v12  }
0x58: {  	v12 =	vld [tilespmem:s22+$0x400];
	[tilespmem:s21+$0x4EC0] =	vst v8  }
0x59: {  	[tilespmem:s21+$0x50C0] =	vst v9  }
0x5a: {  	[tilespmem:s21+$0x52C0] =	vst v10  }
0x5b: {  	[tilespmem:s21+$0x54C0] =	vst v15;
	v62 =	vshll.u32 v5, $0x3  }
0x5c: {  	[tilespmem:s21+$0x56C0] =	vst v16;
	v63 =	vshll.u32 v11, $0x3  }
0x5d: {  	[tilespmem:s21+$0x5AC0] =	vst v17;
	v5 =	vshll.u32 v12, $0x4  }
0x5e: {  	[tilespmem:s21+$0x5CC0] =	vst v13;
	v11 =	vor.u32 $0x1, v62  }
0x5f: {  	[tilespmem:s21+$0x5EC0] =	vst v14;
	v12 =	vor.u32 $0x2, v62  }
0x60: {  	[tilespmem:s21+$0x60C0] =	vst v19;
	v13 =	vor.u32 $0x3, v62;
	v8 =	vld.idx.msk [tilespmem:v62+s13+$0x0], $0xffff  }
0x61: {  	[tilespmem:s21+$0x62C0] =	vst v20;
	v14 =	vor.u32 $0x4, v62;
	v9 =	vld.idx.msk [tilespmem:v63+s14+$0x0], $0xffff  }
0x62: {  	[tilespmem:s21+$0x64C0] =	vst v21;
	v15 =	vor.u32 $0x5, v62;
	v10 =	vld.idx.msk [tilespmem:v5+s15+$0x0], $0xffff  }
0x63: {  	[tilespmem:s21+$0x66C0] =	vst v22;
	v16 =	vor.u32 $0x6, v62;
	v11 =	vld.idx.msk [tilespmem:v11+s13+$0x0], $0xffff  }
0x64: {  	[tilespmem:s21+$0x6AC0] =	vst v18;
	v17 =	vor.u32 $0x7, v62;
	v12 =	vld.idx.msk [tilespmem:v12+s13+$0x0], $0xffff  }
0x65: {  	[tilespmem:s21+$0x6CC0] =	vst v24;
	v18 =	vor.u32 $0x1, v63;
	v13 =	vld.idx.msk [tilespmem:v13+s13+$0x0], $0xffff  }
0x66: {  	[tilespmem:s21+$0x6EC0] =	vst v25;
	v19 =	vor.u32 $0x2, v63;
	v14 =	vld.idx.msk [tilespmem:v14+s13+$0x0], $0xffff  }
0x67: {  	[tilespmem:s21+$0x70C0] =	vst v26;
	v20 =	vor.u32 $0x3, v63;
	v15 =	vld.idx.msk [tilespmem:v15+s13+$0x0], $0xffff  }
0x68: {  	[tilespmem:s21+$0x72C0] =	vst v27;
	v21 =	vor.u32 $0x4, v63;
	v16 =	vld.idx.msk [tilespmem:v16+s13+$0x0], $0xffff  }
0x69: {  	[tilespmem:s21+$0x74C0] =	vst v23;
	v25 =	vor.u32 $0x5, v63;
	v17 =	vld.idx.msk [tilespmem:v17+s13+$0x0], $0xffff  }
0x6a: {  	[tilespmem:s21+$0x76C0] =	vst v29;
	v22 =	vor.u32 $0x6, v63;
	v18 =	vld.idx.msk [tilespmem:v18+s14+$0x0], $0xffff  }
0x6b: {  	[tilespmem:s21+$0x78C0] =	vst v30;
	v26 =	vor.u32 $0x7, v63;
	v19 =	vld.idx.msk [tilespmem:v19+s14+$0x0], $0xffff  }
0x6c: {  	[tilespmem:s21+$0x7AC0] =	vst v33;
	v23 =	vor.u32 $0x1, v5;
	v20 =	vld.idx.msk [tilespmem:v20+s14+$0x0], $0xffff  }
0x6d: {  	s23 =	simm.s32 $0x80;
	[tilespmem:s21+$0x7CC0] =	vst v28;
	v24 =	vor.u32 $0x2, v5;
	v21 =	vld.idx.msk [tilespmem:v21+s14+$0x0], $0xffff  }
.LBB2_2:
0x6e: {  	p0 =	sne.s32 s23, $0x7C0;
	v25 =	vld.idx.msk [tilespmem:v25+s14+$0x0], $0xffff;
	v27 =	vor.u32 $0x3, v5;
	[tilespmem:s21+$0x7EC0] =	vst v7  }
0x6f: {  	v7 =	vor.u32 $0x4, v5;
	v22 =	vld.idx.msk [tilespmem:v22+s14+$0x0], $0xffff;
	[tilespmem:s21+$0x80C0] =	vst v6  }
0x70: {  	v6 =	vor.u32 $0x5, v5;
	v26 =	vld.idx.msk [tilespmem:v26+s14+$0x0], $0xffff;
	[tilespmem:s21+$0x82C0] =	vst v4  }
0x71: {  	v4 =	vor.u32 $0x6, v5;
	v23 =	vld.idx.msk [tilespmem:v23+s15+$0x0], $0xffff;
	[tilespmem:s21+$0x84C0] =	vst v3  }
0x72: {  	v3 =	vor.u32 $0x7, v5;
	v24 =	vld.idx.msk [tilespmem:v24+s15+$0x0], $0xffff;
	[tilespmem:s21+$0x48C0] =	vst v0;
	v0 =	vmov v8  }
0x73: {  	v8 =	vor.u32 $0x8, v5;
	v27 =	vld.idx.msk [tilespmem:v27+s15+$0x0], $0xffff;
	[tilespmem:s21+$0x58C0] =	vst v1;
	v1 =	vmov v9  }
0x74: {  	v28 =	vld.idx.msk [tilespmem:v7+s15+$0x0], $0xffff;
	v7 =	vor.u32 $0xF, v5;
	[tilespmem:s21+$0x68C0] =	vst v2;
	v2 =	vmov v10;
	s21 =	smov.u32 s22  }
0x75: {  	v29 =	vld.idx.msk [tilespmem:v6+s15+$0x0], $0xffff;
	v6 =	vor.u32 $0x9, v5  }
0x76: {  	v30 =	vld.idx.msk [tilespmem:v4+s15+$0x0], $0xffff;
	v4 =	vor.u32 $0xA, v5  }
0x77: {  	v31 =	vld.idx.msk [tilespmem:v3+s15+$0x0], $0xffff;
	v3 =	vor.u32 $0xB, v5  }
0x78: {  	v32 =	vld.idx.msk [tilespmem:v8+s15+$0x0], $0xffff;
	v8 =	vor.u32 $0xC, v5  }
0x79: {  	v9 =	vor.u32 $0xD, v5;
	v10 =	vld.idx.msk [tilespmem:v7+s15+$0x0], $0xffff  }
0x7a: {  	v5 =	vor.u32 $0xE, v5;
	v33 =	vld.idx.msk [tilespmem:v6+s15+$0x0], $0xffff  }
0x7b: {  	v34 =	vld.idx.msk [tilespmem:v4+s15+$0x0], $0xffff  }
0x7c: {  	v7 =	vld.idx.msk [tilespmem:v3+s15+$0x0], $0xffff  }
0x7d: {  	v6 =	vld.idx.msk [tilespmem:v8+s15+$0x0], $0xffff  }
0x7e: {  	v4 =	vld.idx.msk [tilespmem:v9+s15+$0x0], $0xffff  }
0x7f: {  	s22 =	sshra.s32 s23, $0x2;
	v3 =	vld.idx.msk [tilespmem:v5+s15+$0x0], $0xffff;
	[tilespmem:s21+$0x86C0] =	vst v10  }
0x80: {  	v5 =	vld [tilespmem:s22+$0x0];
	[tilespmem:s21+$0x4AC0] =	vst v11  }
0x81: {  	v8 =	vld [tilespmem:s22+$0x200];
	[tilespmem:s21+$0x4CC0] =	vst v12  }
0x82: {  	v9 =	vld [tilespmem:s22+$0x400];
	[tilespmem:s21+$0x4EC0] =	vst v13  }
0x83: {  	[tilespmem:s21+$0x50C0] =	vst v14  }
0x84: {  	[tilespmem:s21+$0x52C0] =	vst v15  }
0x85: {  	v13 =	vshll.u32 v5, $0x3;
	[tilespmem:s21+$0x54C0] =	vst v16  }
0x86: {  	v35 =	vshll.u32 v8, $0x3;
	[tilespmem:s21+$0x56C0] =	vst v17  }
0x87: {  	v5 =	vshll.u32 v9, $0x4;
	[tilespmem:s21+$0x5AC0] =	vst v18  }
0x88: {  	v11 =	vor.u32 $0x1, v13;
	[tilespmem:s21+$0x5CC0] =	vst v19  }
0x89: {  	v12 =	vor.u32 $0x2, v13;
	[tilespmem:s21+$0x5EC0] =	vst v20  }
0x8a: {  	v14 =	vor.u32 $0x3, v13;
	v8 =	vld.idx.msk [tilespmem:v13+s13+$0x0], $0xffff;
	[tilespmem:s21+$0x60C0] =	vst v21  }
0x8b: {  	v15 =	vor.u32 $0x4, v13;
	v9 =	vld.idx.msk [tilespmem:v35+s14+$0x0], $0xffff;
	[tilespmem:s21+$0x62C0] =	vst v25  }
0x8c: {  	v16 =	vor.u32 $0x5, v13;
	v10 =	vld.idx.msk [tilespmem:v5+s15+$0x0], $0xffff;
	[tilespmem:s21+$0x64C0] =	vst v22  }
0x8d: {  	v17 =	vor.u32 $0x6, v13;
	v11 =	vld.idx.msk [tilespmem:v11+s13+$0x0], $0xffff;
	[tilespmem:s21+$0x66C0] =	vst v26  }
0x8e: {  	v18 =	vor.u32 $0x7, v13;
	v12 =	vld.idx.msk [tilespmem:v12+s13+$0x0], $0xffff;
	[tilespmem:s21+$0x6AC0] =	vst v23  }
0x8f: {  	v19 =	vor.u32 $0x1, v35;
	v13 =	vld.idx.msk [tilespmem:v14+s13+$0x0], $0xffff;
	[tilespmem:s21+$0x6CC0] =	vst v24  }
0x90: {  	v20 =	vor.u32 $0x2, v35;
	v14 =	vld.idx.msk [tilespmem:v15+s13+$0x0], $0xffff;
	[tilespmem:s21+$0x6EC0] =	vst v27  }
0x91: {  	v21 =	vor.u32 $0x3, v35;
	v15 =	vld.idx.msk [tilespmem:v16+s13+$0x0], $0xffff;
	[tilespmem:s21+$0x70C0] =	vst v28  }
0x92: {  	v24 =	vor.u32 $0x4, v35;
	v16 =	vld.idx.msk [tilespmem:v17+s13+$0x0], $0xffff;
	[tilespmem:s21+$0x72C0] =	vst v29  }
.Ltmp0:
0x93: {  	v25 =	vor.u32 $0x5, v35;
	v17 =	vld.idx.msk [tilespmem:v18+s13+$0x0], $0xffff;
	[tilespmem:s21+$0x74C0] =	vst v30;
	(pc) =	sbr.rel @p0 .LBB2_2-.Ltmp0, $4  }
0x94: {  	v22 =	vor.u32 $0x6, v35;
	v18 =	vld.idx.msk [tilespmem:v19+s14+$0x0], $0xffff;
	[tilespmem:s21+$0x76C0] =	vst v31  }
0x95: {  	v26 =	vor.u32 $0x7, v35;
	v19 =	vld.idx.msk [tilespmem:v20+s14+$0x0], $0xffff;
	[tilespmem:s21+$0x78C0] =	vst v32  }
0x96: {  	v23 =	vor.u32 $0x1, v5;
	v20 =	vld.idx.msk [tilespmem:v21+s14+$0x0], $0xffff;
	[tilespmem:s21+$0x7AC0] =	vst v33  }
0x97: {  	s23 =	sadd.s32 $0x40, s23;
	v21 =	vld.idx.msk [tilespmem:v24+s14+$0x0], $0xffff;
	v24 =	vor.u32 $0x2, v5;
	[tilespmem:s21+$0x7CC0] =	vst v34  }
0x98: {  	_ =	sdelay $0x3  }
0x99: {  	v25 =	vld.idx.msk [tilespmem:v25+s14+$0x0], $0xffff;
	v27 =	vor.u32 $0x3, v5  }
0x9a: {  	v22 =	vld.idx.msk [tilespmem:v22+s14+$0x0], $0xffff;
	v28 =	vor.u32 $0x4, v5  }
0x9b: {  	v26 =	vld.idx.msk [tilespmem:v26+s14+$0x0], $0xffff;
	v29 =	vor.u32 $0x5, v5  }
0x9c: {  	v23 =	vld.idx.msk [tilespmem:v23+s15+$0x0], $0xffff;
	v30 =	vor.u32 $0x6, v5  }
0x9d: {  	v24 =	vld.idx.msk [tilespmem:v24+s15+$0x0], $0xffff;
	v31 =	vor.u32 $0x7, v5  }
0x9e: {  	v32 =	vor.u32 $0x8, v5;
	v27 =	vld.idx.msk [tilespmem:v27+s15+$0x0], $0xffff  }
0x9f: {  	v33 =	vor.u32 $0xF, v5;
	v28 =	vld.idx.msk [tilespmem:v28+s15+$0x0], $0xffff  }
0xa0: {  	v34 =	vor.u32 $0x9, v5;
	v29 =	vld.idx.msk [tilespmem:v29+s15+$0x0], $0xffff  }
0xa1: {  	v35 =	vor.u32 $0xA, v5;
	v30 =	vld.idx.msk [tilespmem:v30+s15+$0x0], $0xffff  }
0xa2: {  	v36 =	vor.u32 $0xB, v5;
	v31 =	vld.idx.msk [tilespmem:v31+s15+$0x0], $0xffff  }
0xa3: {  	v37 =	vor.u32 $0xC, v5;
	[tilespmem:s21+$0x7EC0] =	vst v7;
	v32 =	vld.idx.msk [tilespmem:v32+s15+$0x0], $0xffff  }
0xa4: {  	v56 =	vor.u32 $0xD, v5;
	[tilespmem:s21+$0x80C0] =	vst v6;
	v33 =	vld.idx.msk [tilespmem:v33+s15+$0x0], $0xffff  }
0xa5: {  	v58 =	vor.u32 $0xE, v5;
	[tilespmem:s21+$0x82C0] =	vst v4;
	v57 =	vld.idx.msk [tilespmem:v34+s15+$0x0], $0xffff  }
0xa6: {  	[tilespmem:s21+$0x84C0] =	vst v3;
	v59 =	vld.idx.msk [tilespmem:v35+s15+$0x0], $0xffff  }
0xa7: {  	[tilespmem:s21+$0x48C0] =	vst v0;
	v60 =	vld.idx.msk [tilespmem:v36+s15+$0x0], $0xffff  }
0xa8: {  	[tilespmem:s21+$0x58C0] =	vst v1;
	v61 =	vld.idx.msk [tilespmem:v37+s15+$0x0], $0xffff  }
0xa9: {  	[tilespmem:s21+$0x68C0] =	vst v2;
	v62 =	vld.idx.msk [tilespmem:v56+s15+$0x0], $0xffff  }
0xaa: {  	v63 =	vld.idx.msk [tilespmem:v58+s15+$0x0], $0xffff;
	[tilespmem:s22+$0x4AC0] =	vst v11  }
0xab: {  	[tilespmem:s22+$0x4CC0] =	vst v12  }
0xac: {  	[tilespmem:s22+$0x4EC0] =	vst v13  }
0xad: {  	[tilespmem:s22+$0x50C0] =	vst v14  }
0xae: {  	[tilespmem:s22+$0x52C0] =	vst v15  }
0xaf: {  	[tilespmem:s22+$0x54C0] =	vst v16  }
0xb0: {  	[tilespmem:s22+$0x56C0] =	vst v17  }
0xb1: {  	[tilespmem:s22+$0x5AC0] =	vst v18  }
0xb2: {  	[tilespmem:s22+$0x5CC0] =	vst v19  }
0xb3: {  	[tilespmem:s22+$0x5EC0] =	vst v20  }
0xb4: {  	[tilespmem:s22+$0x60C0] =	vst v21  }
0xb5: {  	[tilespmem:s22+$0x62C0] =	vst v25  }
0xb6: {  	[tilespmem:s22+$0x64C0] =	vst v22  }
0xb7: {  	[tilespmem:s22+$0x66C0] =	vst v26  }
0xb8: {  	[tilespmem:s22+$0x6AC0] =	vst v23  }
0xb9: {  	[tilespmem:s22+$0x6CC0] =	vst v24  }
0xba: {  	[tilespmem:s22+$0x48C0] =	vst v8  }
0xbb: {  	[tilespmem:s22+$0x58C0] =	vst v9  }
0xbc: {  	[tilespmem:s22+$0x68C0] =	vst v10  }
0xbd: {  	[tilespmem:s22+$0x86C0] =	vst v33  }
0xbe: {  	[tilespmem:s22+$0x6EC0] =	vst v27  }
0xbf: {  	[tilespmem:s22+$0x70C0] =	vst v28  }
0xc0: {  	[tilespmem:s22+$0x72C0] =	vst v29  }
0xc1: {  	[tilespmem:s22+$0x74C0] =	vst v30  }
0xc2: {  	[tilespmem:s22+$0x76C0] =	vst v31  }
0xc3: {  	[tilespmem:s22+$0x78C0] =	vst v32  }
0xc4: {  	[tilespmem:s22+$0x7AC0] =	vst v57  }
0xc5: {  	[tilespmem:s22+$0x7CC0] =	vst v59  }
0xc6: {  	[tilespmem:s22+$0x7EC0] =	vst v60  }
0xc7: {  	s20 =	sadd.s32 $0x1, s20;
	[tilespmem:s22+$0x80C0] =	vst v61  }
0xc8: {  	p0 =	sne.s32 s20, s10;
	[tilespmem:s22+$0x82C0] =	vst v62  }
.Ltmp1:
0xc9: {  	[tilespmem:s22+$0x84C0] =	vst v63;
	(pc) =	sbr.rel @p0 .LBB2_1-.Ltmp1, $4  }
0xca: {  	[hbm4b:s9+s11] =	stream.strided.scatter [tilespmem:s18], [sflag:$0x2], $0x4000, s17, s11, $0x38;
	[tilespmem:$0x88C0] =	vst v63  }
0xcb: {  	_ =	swait.ge [sflag:s19], $0x4000  }
0xcc: {  	[sflag:s19] =	ssyncset.done $0x0  }
0xcd: {  	[sflag:s19] =	ssyncadd.s32 $0xFFFFC000  }
0xce: {  	_ =	sfence.sel $0x180000  }
0xcf: {  	[bflag:$0x0] =	sbarrier.arrive $0xFFFF  }
0xd0: {  	p0 =	sne.s32 s2, $0x0;
	_ =	strace $0x90000047  }
0xd1: {  	s0 =	sadd.s32 @!p0 $0x100000, s0;
	[bflag:$0x2] =	sbarrier.arrive $0xFFFF  }
0xd2: {  	[sflag:s0] =	ssyncadd.tile.s32 @!p0 $0x1;
	_ =	shalt  }
.Lfunc_end2:
_tile_overlayer_lowered:
.L_overlay_start_2:
0xd3: {  	(tag) =	ssettag $0x2  }
0xd4: {  	s0 =	rddreg [dreg:$0x0];
	s2 =	stileid.u32  }
0xd5: {  	s1 =	rddreg [dreg:$0x1];
	p0 =	sne.s32 s2, $0x0  }
0xd6: {  	s3 =	rddreg [dreg:$0x2];
	[bflag:$0x3] =	sbarrier.arrive $0xFFFF;
	s2 =	simm.s32 @!p0 $0x1C02  }
0xd7: {  	[timem:s3], [sflag:s2] =	dma.local @!p0 [hbm:s0], s1  }
0xd8: {  	s0 =	simm.s32 @!p0 $0x2  }
0xd9: {  	_ =	swait.ge @!p0 [sflag:s0], s1  }
0xda: {  	s1 =	ssub.s32 @!p0 $0x0, s1;
	[sflag:s0] =	ssyncset.done @!p0 $0x0  }
0xdb: {  	[sflag:s0] =	ssyncadd.s32 @!p0 s1  }
0xdc: {  	[bflag:$0x3] =	sbarrier.arrive $0xFFFF  }
0xdd: {  	_ =	shalt  }

</sc_bundles>
